<compile_context>
chip_gen: v7x
topology: tpu7x:2x2x1
jax: 0.10.2.dev20260603
libtpu: 0.0.44.dev20260713+nightly
codegen_flags: <defaults>
</compile_context>

<pallas_src>
import functools

import jax
import jax.numpy as jnp
from jax import lax
from jax.experimental import pallas as pl
from jax.experimental.pallas import tpu as pltpu
from jax.experimental.pallas import tpu_sc as plsc


def kernel(x, table, pos_encoding):
    B, T = x.shape
    V, D = table.shape
    N = B * T

    info = plsc.get_sparse_core_info()
    NC, NS, L = info.num_cores, info.num_subcores, info.num_lanes
    NW = NC * NS
    PW = T // NW

    mesh = plsc.VectorSubcoreMesh(core_axis_name="c", subcore_axis_name="s")

    @functools.partial(
        pl.kernel,
        mesh=mesh,
        out_type=jax.ShapeDtypeStruct((N, D), jnp.float32),
        scratch_types=[
            pltpu.VMEM((B * PW,), jnp.int32),
            pltpu.VMEM((B * PW, D), jnp.float32),
            pltpu.VMEM((PW, D), jnp.float32),
            pltpu.SemaphoreType.DMA,
            [pltpu.SemaphoreType.DMA] * B,
            pltpu.SemaphoreType.DMA,
            pltpu.SemaphoreType.DMA,
        ],
    )
    def emb_body(x_hbm, table_hbm, pos_hbm, out_hbm,
                 idx_v, rows_v, pos_v, pos_sem, row_sems, out_sem, idx_sem):
        wid = lax.axis_index("s") * NC + lax.axis_index("c")
        pbase = wid * PW

        idx_cps = [
            pltpu.async_copy(
                x_hbm.at[pl.ds(b * T + pbase, PW)],
                idx_v.at[pl.ds(b * PW, PW)],
                idx_sem,
            )
            for b in range(B)
        ]
        for cp in idx_cps:
            cp.wait()
        gathers = [
            pltpu.async_copy(
                table_hbm.at[idx_v.at[pl.ds(b * PW, PW)]],
                rows_v.at[pl.ds(b * PW, PW)],
                row_sems[b],
            )
            for b in range(B)
        ]
        pos_cp = pltpu.async_copy(pos_hbm.at[pl.ds(pbase, PW)], pos_v, pos_sem)

        pos_cp.wait()
        outs = []
        for b in range(B):
            gathers[b].wait()
            rbase = b * PW

            @plsc.parallel_loop(0, PW, 1, unroll=2)
            def add_row(r):
                for c in range(D // L):
                    sl = pl.ds(c * L, L)
                    rows_v[rbase + r, sl] = rows_v[rbase + r, sl] + pos_v[r, sl]

            outs.append(pltpu.async_copy(
                rows_v.at[pl.ds(rbase, PW)],
                out_hbm.at[pl.ds(b * T + pbase, PW)],
                out_sem,
            ))
        for o in outs:
            o.wait()

    out = emb_body(x.reshape(N), table, pos_encoding)
    return out.reshape(B, T, D)

# --- scband reference (transcript-rebuilt; emitter-appended) ---
"""Pipeline reference for scband-embedding-28106265985393 (READ-ONLY COPY).

The authoritative reference and input builder live on the scoring server;
editing this copy changes nothing except your own understanding.
"""

import jax, jax.numpy as jnp
import numpy as np

VOCAB = 1000000
D = 128
CTX = 2048
B = 4
T = 2048


def make_pos_encoding():
    positions = np.arange(0, CTX, dtype=np.float32)[:, None]
    _2i = np.arange(0, D, 2, dtype=np.float32)
    pe = np.zeros((CTX, D), dtype=np.float32)
    pe[:, 0::2] = np.sin(positions / 10000 ** (_2i / D))
    pe[:, 1::2] = np.cos(positions / 10000 ** (_2i / D))
    return jnp.asarray(pe)


def setup_inputs(seed: int = 0) -> dict:
    key = jax.random.key(seed)
    k1, k2 = jax.random.split(key)
    x = jax.random.randint(k1, (B, T), 0, VOCAB, dtype=jnp.int32)
    table = jax.random.normal(k2, (VOCAB, D), dtype=jnp.float32) * 0.02
    pos_encoding = make_pos_encoding()
    return {"x": x, "table": table, "pos_encoding": pos_encoding}


def reference(x, table, pos_encoding):
    # token embedding lookup (gather)
    emb = jnp.take(table, x, axis=0)  # [B, T, D]
    Tlen = x.shape[1]
    return emb + pos_encoding[:Tlen, :]

if __name__ == "__main__":
    import jax
    _d = setup_inputs()
    print(jax.jit(kernel)(*tuple(_d.values())))

</pallas_src>

<mosaic_0001>
#map = affine_map<(d0, d1) -> (0)>
#map1 = affine_map<(d0, d1) -> (0, 0)>
module attributes {stable_mosaic.version = 14 : i64} {
  func.func @emb_body(%arg0: i32, %arg1: i32, %arg2: memref<8192xi32, #tpu.memory_space<hbm>>, %arg3: memref<1000000x128xf32, #tpu.memory_space<hbm>>, %arg4: memref<2048x128xf32, #tpu.memory_space<hbm>>, %arg5: memref<8192x128xf32, #tpu.memory_space<hbm>>, %arg6: memref<256xi32, #tpu.memory_space<vmem>>, %arg7: memref<256x128xf32, #tpu.memory_space<vmem>>, %arg8: memref<64x128xf32, #tpu.memory_space<vmem>>, %arg9: memref<!tpu.dma_semaphore, #tpu.memory_space<semaphore_mem>>, %arg10: memref<!tpu.dma_semaphore, #tpu.memory_space<semaphore_mem>>, %arg11: memref<!tpu.dma_semaphore, #tpu.memory_space<semaphore_mem>>, %arg12: memref<!tpu.dma_semaphore, #tpu.memory_space<semaphore_mem>>, %arg13: memref<!tpu.dma_semaphore, #tpu.memory_space<semaphore_mem>>, %arg14: memref<!tpu.dma_semaphore, #tpu.memory_space<semaphore_mem>>, %arg15: memref<!tpu.dma_semaphore, #tpu.memory_space<semaphore_mem>>) attributes {dimension_semantics = [#tpu.dimension_semantics<core_parallel>, #tpu.dimension_semantics<subcore_parallel>], iteration_bounds = array<i64: 2, 16>, scalar_prefetch = 0 : i64, scratch_operands = 10 : i64, tpu.core_type = #tpu.core_type<sc_vector_subcore>, window_params = [{transform_indices = #map}, {transform_indices = #map1}, {transform_indices = #map1}, {transform_indices = #map1}]} {
    %mul3A = arith.constant 2 : i32
    %mul3A_0 = arith.muli %arg1, %mul3A : i32
    %add3A = arith.addi %mul3A_0, %arg0 : i32
    %mul3A_1 = arith.constant 64 : i32
    %mul3A_2 = arith.muli %add3A, %mul3A_1 : i32
    %add3A_3 = arith.constant 0 : i32
    %add3A_4 = arith.addi %add3A_3, %mul3A_2 : i32
    %dma_start3A = arith.constant 0 : i32
    %dma_start3A_5 = tpu.memref_slice %arg6[%dma_start3A] : memref<256xi32, #tpu.memory_space<vmem>> -> memref<64xi32, #tpu.memory_space<vmem>>
    %dma_start3A_6 = tpu.memref_slice %arg2[%add3A_4] : memref<8192xi32, #tpu.memory_space<hbm>> -> memref<64xi32, #tpu.memory_space<hbm>>
    %dma_start3A_7 = arith.constant 0 : i32
    %dma_start3A_8 = tpu.memref_slice %arg6[%dma_start3A_7] : memref<256xi32, #tpu.memory_space<vmem>> -> memref<64xi32, #tpu.memory_space<vmem>>
    %dma_start3A_9 = tpu.memref_slice %arg2[%add3A_4] : memref<8192xi32, #tpu.memory_space<hbm>> -> memref<64xi32, #tpu.memory_space<hbm>>
    tpu.enqueue_dma source(%dma_start3A_9 : memref<64xi32, #tpu.memory_space<hbm>>) target(%dma_start3A_8 : memref<64xi32, #tpu.memory_space<vmem>>) target_semaphore(%arg15 : memref<!tpu.dma_semaphore, #tpu.memory_space<semaphore_mem>>)
    %add3A_10 = arith.constant 2048 : i32
    %add3A_11 = arith.addi %add3A_10, %mul3A_2 : i32
    %dma_start3A_12 = arith.constant 64 : i32
    %dma_start3A_13 = tpu.memref_slice %arg6[%dma_start3A_12] : memref<256xi32, #tpu.memory_space<vmem>> -> memref<64xi32, #tpu.memory_space<vmem>>
    %dma_start3A_14 = tpu.memref_slice %arg2[%add3A_11] : memref<8192xi32, #tpu.memory_space<hbm>> -> memref<64xi32, #tpu.memory_space<hbm>>
    %dma_start3A_15 = arith.constant 64 : i32
    %dma_start3A_16 = tpu.memref_slice %arg6[%dma_start3A_15] : memref<256xi32, #tpu.memory_space<vmem>> -> memref<64xi32, #tpu.memory_space<vmem>>
    %dma_start3A_17 = tpu.memref_slice %arg2[%add3A_11] : memref<8192xi32, #tpu.memory_space<hbm>> -> memref<64xi32, #tpu.memory_space<hbm>>
    tpu.enqueue_dma source(%dma_start3A_17 : memref<64xi32, #tpu.memory_space<hbm>>) target(%dma_start3A_16 : memref<64xi32, #tpu.memory_space<vmem>>) target_semaphore(%arg15 : memref<!tpu.dma_semaphore, #tpu.memory_space<semaphore_mem>>)
    %add3A_18 = arith.constant 4096 : i32
    %add3A_19 = arith.addi %add3A_18, %mul3A_2 : i32
    %dma_start3A_20 = arith.constant 128 : i32
    %dma_start3A_21 = tpu.memref_slice %arg6[%dma_start3A_20] : memref<256xi32, #tpu.memory_space<vmem>> -> memref<64xi32, #tpu.memory_space<vmem>>
    %dma_start3A_22 = tpu.memref_slice %arg2[%add3A_19] : memref<8192xi32, #tpu.memory_space<hbm>> -> memref<64xi32, #tpu.memory_space<hbm>>
    %dma_start3A_23 = arith.constant 128 : i32
    %dma_start3A_24 = tpu.memref_slice %arg6[%dma_start3A_23] : memref<256xi32, #tpu.memory_space<vmem>> -> memref<64xi32, #tpu.memory_space<vmem>>
    %dma_start3A_25 = tpu.memref_slice %arg2[%add3A_19] : memref<8192xi32, #tpu.memory_space<hbm>> -> memref<64xi32, #tpu.memory_space<hbm>>
    tpu.enqueue_dma source(%dma_start3A_25 : memref<64xi32, #tpu.memory_space<hbm>>) target(%dma_start3A_24 : memref<64xi32, #tpu.memory_space<vmem>>) target_semaphore(%arg15 : memref<!tpu.dma_semaphore, #tpu.memory_space<semaphore_mem>>)
    %add3A_26 = arith.constant 6144 : i32
    %add3A_27 = arith.addi %add3A_26, %mul3A_2 : i32
    %dma_start3A_28 = arith.constant 192 : i32
    %dma_start3A_29 = tpu.memref_slice %arg6[%dma_start3A_28] : memref<256xi32, #tpu.memory_space<vmem>> -> memref<64xi32, #tpu.memory_space<vmem>>
    %dma_start3A_30 = tpu.memref_slice %arg2[%add3A_27] : memref<8192xi32, #tpu.memory_space<hbm>> -> memref<64xi32, #tpu.memory_space<hbm>>
    %dma_start3A_31 = arith.constant 192 : i32
    %dma_start3A_32 = tpu.memref_slice %arg6[%dma_start3A_31] : memref<256xi32, #tpu.memory_space<vmem>> -> memref<64xi32, #tpu.memory_space<vmem>>
    %dma_start3A_33 = tpu.memref_slice %arg2[%add3A_27] : memref<8192xi32, #tpu.memory_space<hbm>> -> memref<64xi32, #tpu.memory_space<hbm>>
    tpu.enqueue_dma source(%dma_start3A_33 : memref<64xi32, #tpu.memory_space<hbm>>) target(%dma_start3A_32 : memref<64xi32, #tpu.memory_space<vmem>>) target_semaphore(%arg15 : memref<!tpu.dma_semaphore, #tpu.memory_space<semaphore_mem>>)
    %dma_wait3A = arith.constant 0 : i32
    %dma_wait3A_34 = tpu.memref_slice %arg6[%dma_wait3A] : memref<256xi32, #tpu.memory_space<vmem>> -> memref<64xi32, #tpu.memory_space<vmem>>
    %dma_wait3A_35 = tpu.memref_slice %arg2[%add3A_4] : memref<8192xi32, #tpu.memory_space<hbm>> -> memref<64xi32, #tpu.memory_space<hbm>>
    %dma_wait3A_36 = arith.constant 0 : i32
    %dma_wait3A_37 = tpu.memref_slice %arg6[%dma_wait3A_36] : memref<256xi32, #tpu.memory_space<vmem>> -> memref<64xi32, #tpu.memory_space<vmem>>
    %dma_wait3A_38 = tpu.memref_slice %arg2[%add3A_4] : memref<8192xi32, #tpu.memory_space<hbm>> -> memref<64xi32, #tpu.memory_space<hbm>>
    tpu.wait_dma2 semaphore(%arg15 : memref<!tpu.dma_semaphore, #tpu.memory_space<semaphore_mem>>) src(%dma_wait3A_38 : memref<64xi32, #tpu.memory_space<hbm>>) dst(%dma_wait3A_37 : memref<64xi32, #tpu.memory_space<vmem>>)
    %dma_wait3A_39 = arith.constant 64 : i32
    %dma_wait3A_40 = tpu.memref_slice %arg6[%dma_wait3A_39] : memref<256xi32, #tpu.memory_space<vmem>> -> memref<64xi32, #tpu.memory_space<vmem>>
    %dma_wait3A_41 = tpu.memref_slice %arg2[%add3A_11] : memref<8192xi32, #tpu.memory_space<hbm>> -> memref<64xi32, #tpu.memory_space<hbm>>
    %dma_wait3A_42 = arith.constant 64 : i32
    %dma_wait3A_43 = tpu.memref_slice %arg6[%dma_wait3A_42] : memref<256xi32, #tpu.memory_space<vmem>> -> memref<64xi32, #tpu.memory_space<vmem>>
    %dma_wait3A_44 = tpu.memref_slice %arg2[%add3A_11] : memref<8192xi32, #tpu.memory_space<hbm>> -> memref<64xi32, #tpu.memory_space<hbm>>
    tpu.wait_dma2 semaphore(%arg15 : memref<!tpu.dma_semaphore, #tpu.memory_space<semaphore_mem>>) src(%dma_wait3A_44 : memref<64xi32, #tpu.memory_space<hbm>>) dst(%dma_wait3A_43 : memref<64xi32, #tpu.memory_space<vmem>>)
    %dma_wait3A_45 = arith.constant 128 : i32
    %dma_wait3A_46 = tpu.memref_slice %arg6[%dma_wait3A_45] : memref<256xi32, #tpu.memory_space<vmem>> -> memref<64xi32, #tpu.memory_space<vmem>>
    %dma_wait3A_47 = tpu.memref_slice %arg2[%add3A_19] : memref<8192xi32, #tpu.memory_space<hbm>> -> memref<64xi32, #tpu.memory_space<hbm>>
    %dma_wait3A_48 = arith.constant 128 : i32
    %dma_wait3A_49 = tpu.memref_slice %arg6[%dma_wait3A_48] : memref<256xi32, #tpu.memory_space<vmem>> -> memref<64xi32, #tpu.memory_space<vmem>>
    %dma_wait3A_50 = tpu.memref_slice %arg2[%add3A_19] : memref<8192xi32, #tpu.memory_space<hbm>> -> memref<64xi32, #tpu.memory_space<hbm>>
    tpu.wait_dma2 semaphore(%arg15 : memref<!tpu.dma_semaphore, #tpu.memory_space<semaphore_mem>>) src(%dma_wait3A_50 : memref<64xi32, #tpu.memory_space<hbm>>) dst(%dma_wait3A_49 : memref<64xi32, #tpu.memory_space<vmem>>)
    %dma_wait3A_51 = arith.constant 192 : i32
    %dma_wait3A_52 = tpu.memref_slice %arg6[%dma_wait3A_51] : memref<256xi32, #tpu.memory_space<vmem>> -> memref<64xi32, #tpu.memory_space<vmem>>
    %dma_wait3A_53 = tpu.memref_slice %arg2[%add3A_27] : memref<8192xi32, #tpu.memory_space<hbm>> -> memref<64xi32, #tpu.memory_space<hbm>>
    %dma_wait3A_54 = arith.constant 192 : i32
    %dma_wait3A_55 = tpu.memref_slice %arg6[%dma_wait3A_54] : memref<256xi32, #tpu.memory_space<vmem>> -> memref<64xi32, #tpu.memory_space<vmem>>
    %dma_wait3A_56 = tpu.memref_slice %arg2[%add3A_27] : memref<8192xi32, #tpu.memory_space<hbm>> -> memref<64xi32, #tpu.memory_space<hbm>>
    tpu.wait_dma2 semaphore(%arg15 : memref<!tpu.dma_semaphore, #tpu.memory_space<semaphore_mem>>) src(%dma_wait3A_56 : memref<64xi32, #tpu.memory_space<hbm>>) dst(%dma_wait3A_55 : memref<64xi32, #tpu.memory_space<vmem>>)
    %dma_start3A_57 = arith.constant 0 : i32
    %dma_start3A_58 = arith.constant 0 : i32
    %dma_start3A_59 = tpu.memref_slice %arg7[%dma_start3A_57, %dma_start3A_58] : memref<256x128xf32, #tpu.memory_space<vmem>> -> memref<64x128xf32, #tpu.memory_space<vmem>>
    %dma_start3A_60 = arith.constant 0 : i32
    %dma_start3A_61 = tpu.memref_slice %arg6[%dma_start3A_60] : memref<256xi32, #tpu.memory_space<vmem>> -> memref<64xi32, #tpu.memory_space<vmem>>
    %dma_start3A_62 = arith.constant 0 : i32
    %dma_start3A_63 = arith.constant 0 : i32
    %dma_start3A_64 = tpu.memref_slice %arg3[%dma_start3A_62, %dma_start3A_63] : memref<1000000x128xf32, #tpu.memory_space<hbm>> -> memref<1000000x128xf32, #tpu.memory_space<hbm>>
    tpu.enqueue_indirect_dma source(%dma_start3A_64 : memref<1000000x128xf32, #tpu.memory_space<hbm>>) target(%dma_start3A_59 : memref<64x128xf32, #tpu.memory_space<vmem>>) offsets(%dma_start3A_61 : memref<64xi32, #tpu.memory_space<vmem>>) semaphore(%arg10 : memref<!tpu.dma_semaphore, #tpu.memory_space<semaphore_mem>>)
    %dma_start3A_65 = arith.constant 64 : i32
    %dma_start3A_66 = arith.constant 0 : i32
    %dma_start3A_67 = tpu.memref_slice %arg7[%dma_start3A_65, %dma_start3A_66] : memref<256x128xf32, #tpu.memory_space<vmem>> -> memref<64x128xf32, #tpu.memory_space<vmem>>
    %dma_start3A_68 = arith.constant 64 : i32
    %dma_start3A_69 = tpu.memref_slice %arg6[%dma_start3A_68] : memref<256xi32, #tpu.memory_space<vmem>> -> memref<64xi32, #tpu.memory_space<vmem>>
    %dma_start3A_70 = arith.constant 0 : i32
    %dma_start3A_71 = arith.constant 0 : i32
    %dma_start3A_72 = tpu.memref_slice %arg3[%dma_start3A_70, %dma_start3A_71] : memref<1000000x128xf32, #tpu.memory_space<hbm>> -> memref<1000000x128xf32, #tpu.memory_space<hbm>>
    tpu.enqueue_indirect_dma source(%dma_start3A_72 : memref<1000000x128xf32, #tpu.memory_space<hbm>>) target(%dma_start3A_67 : memref<64x128xf32, #tpu.memory_space<vmem>>) offsets(%dma_start3A_69 : memref<64xi32, #tpu.memory_space<vmem>>) semaphore(%arg11 : memref<!tpu.dma_semaphore, #tpu.memory_space<semaphore_mem>>)
    %dma_start3A_73 = arith.constant 128 : i32
    %dma_start3A_74 = arith.constant 0 : i32
    %dma_start3A_75 = tpu.memref_slice %arg7[%dma_start3A_73, %dma_start3A_74] : memref<256x128xf32, #tpu.memory_space<vmem>> -> memref<64x128xf32, #tpu.memory_space<vmem>>
    %dma_start3A_76 = arith.constant 128 : i32
    %dma_start3A_77 = tpu.memref_slice %arg6[%dma_start3A_76] : memref<256xi32, #tpu.memory_space<vmem>> -> memref<64xi32, #tpu.memory_space<vmem>>
    %dma_start3A_78 = arith.constant 0 : i32
    %dma_start3A_79 = arith.constant 0 : i32
    %dma_start3A_80 = tpu.memref_slice %arg3[%dma_start3A_78, %dma_start3A_79] : memref<1000000x128xf32, #tpu.memory_space<hbm>> -> memref<1000000x128xf32, #tpu.memory_space<hbm>>
    tpu.enqueue_indirect_dma source(%dma_start3A_80 : memref<1000000x128xf32, #tpu.memory_space<hbm>>) target(%dma_start3A_75 : memref<64x128xf32, #tpu.memory_space<vmem>>) offsets(%dma_start3A_77 : memref<64xi32, #tpu.memory_space<vmem>>) semaphore(%arg12 : memref<!tpu.dma_semaphore, #tpu.memory_space<semaphore_mem>>)
    %dma_start3A_81 = arith.constant 192 : i32
    %dma_start3A_82 = arith.constant 0 : i32
    %dma_start3A_83 = tpu.memref_slice %arg7[%dma_start3A_81, %dma_start3A_82] : memref<256x128xf32, #tpu.memory_space<vmem>> -> memref<64x128xf32, #tpu.memory_space<vmem>>
    %dma_start3A_84 = arith.constant 192 : i32
    %dma_start3A_85 = tpu.memref_slice %arg6[%dma_start3A_84] : memref<256xi32, #tpu.memory_space<vmem>> -> memref<64xi32, #tpu.memory_space<vmem>>
    %dma_start3A_86 = arith.constant 0 : i32
    %dma_start3A_87 = arith.constant 0 : i32
    %dma_start3A_88 = tpu.memref_slice %arg3[%dma_start3A_86, %dma_start3A_87] : memref<1000000x128xf32, #tpu.memory_space<hbm>> -> memref<1000000x128xf32, #tpu.memory_space<hbm>>
    tpu.enqueue_indirect_dma source(%dma_start3A_88 : memref<1000000x128xf32, #tpu.memory_space<hbm>>) target(%dma_start3A_83 : memref<64x128xf32, #tpu.memory_space<vmem>>) offsets(%dma_start3A_85 : memref<64xi32, #tpu.memory_space<vmem>>) semaphore(%arg13 : memref<!tpu.dma_semaphore, #tpu.memory_space<semaphore_mem>>)
    %dma_start3A_89 = arith.constant 0 : i32
    %dma_start3A_90 = tpu.memref_slice %arg4[%mul3A_2, %dma_start3A_89] : memref<2048x128xf32, #tpu.memory_space<hbm>> -> memref<64x128xf32, #tpu.memory_space<hbm>>
    %dma_start3A_91 = arith.constant 0 : i32
    %dma_start3A_92 = tpu.memref_slice %arg4[%mul3A_2, %dma_start3A_91] : memref<2048x128xf32, #tpu.memory_space<hbm>> -> memref<64x128xf32, #tpu.memory_space<hbm>>
    tpu.enqueue_dma source(%dma_start3A_92 : memref<64x128xf32, #tpu.memory_space<hbm>>) target(%arg8 : memref<64x128xf32, #tpu.memory_space<vmem>>) target_semaphore(%arg9 : memref<!tpu.dma_semaphore, #tpu.memory_space<semaphore_mem>>)
    %dma_wait3A_93 = arith.constant 0 : i32
    %dma_wait3A_94 = tpu.memref_slice %arg4[%mul3A_2, %dma_wait3A_93] : memref<2048x128xf32, #tpu.memory_space<hbm>> -> memref<64x128xf32, #tpu.memory_space<hbm>>
    %dma_wait3A_95 = arith.constant 0 : i32
    %dma_wait3A_96 = tpu.memref_slice %arg4[%mul3A_2, %dma_wait3A_95] : memref<2048x128xf32, #tpu.memory_space<hbm>> -> memref<64x128xf32, #tpu.memory_space<hbm>>
    tpu.wait_dma2 semaphore(%arg9 : memref<!tpu.dma_semaphore, #tpu.memory_space<semaphore_mem>>) src(%dma_wait3A_96 : memref<64x128xf32, #tpu.memory_space<hbm>>) dst(%arg8 : memref<64x128xf32, #tpu.memory_space<vmem>>)
    %dma_wait3A_97 = arith.constant 0 : i32
    %dma_wait3A_98 = arith.constant 0 : i32
    %dma_wait3A_99 = tpu.memref_slice %arg7[%dma_wait3A_97, %dma_wait3A_98] : memref<256x128xf32, #tpu.memory_space<vmem>> -> memref<64x128xf32, #tpu.memory_space<vmem>>
    %dma_wait3A_100 = arith.constant 0 : i32
    %dma_wait3A_101 = tpu.memref_slice %arg6[%dma_wait3A_100] : memref<256xi32, #tpu.memory_space<vmem>> -> memref<64xi32, #tpu.memory_space<vmem>>
    %dma_wait3A_102 = arith.constant 0 : i32
    %dma_wait3A_103 = arith.constant 0 : i32
    %dma_wait3A_104 = tpu.memref_slice %arg3[%dma_wait3A_102, %dma_wait3A_103] : memref<1000000x128xf32, #tpu.memory_space<hbm>> -> memref<1000000x128xf32, #tpu.memory_space<hbm>>
    tpu.wait_indirect_dma semaphore(%arg10 : memref<!tpu.dma_semaphore, #tpu.memory_space<semaphore_mem>>) src(%dma_wait3A_104 : memref<1000000x128xf32, #tpu.memory_space<hbm>>) dst(%dma_wait3A_99 : memref<64x128xf32, #tpu.memory_space<vmem>>)
    %parallel_loop3A = arith.constant 0 : i32
    %parallel_loop3A_105 = arith.constant 64 : i32
    %parallel_loop3A_106 = arith.constant 1 : i32
    scf.for %parallel_loop3A_228 = %parallel_loop3A to %parallel_loop3A_105 step %parallel_loop3A_106  : i32 {
      %parallel_loop3A_229 = arith.constant 0 : i32
      %parallel_loop3A_230 = arith.addi %parallel_loop3A_229, %parallel_loop3A_228 : i32
      %parallel_loop3A_231 = arith.index_cast %parallel_loop3A_230 : i32 to index
      %parallel_loop3A_232 = arith.constant 0 : index
      %parallel_loop3A_233 = tpu.vector_load %arg7[%parallel_loop3A_231, %parallel_loop3A_232] {strides = array<i32>} : memref<256x128xf32, #tpu.memory_space<vmem>>, vector<1x16xf32>,
      %parallel_loop3A_234 = vector.shape_cast %parallel_loop3A_233 : vector<1x16xf32> to vector<16xf32>
      %parallel_loop3A_235 = arith.index_cast %parallel_loop3A_228 : i32 to index
      %parallel_loop3A_236 = arith.constant 0 : index
      %parallel_loop3A_237 = tpu.vector_load %arg8[%parallel_loop3A_235, %parallel_loop3A_236] {strides = array<i32>} : memref<64x128xf32, #tpu.memory_space<vmem>>, vector<1x16xf32>,
      %parallel_loop3A_238 = vector.shape_cast %parallel_loop3A_237 : vector<1x16xf32> to vector<16xf32>
      %parallel_loop3A_239 = arith.addf %parallel_loop3A_234, %parallel_loop3A_238 : vector<16xf32>
      %parallel_loop3A_240 = arith.constant 0 : i32
      %parallel_loop3A_241 = arith.addi %parallel_loop3A_240, %parallel_loop3A_228 : i32
      %parallel_loop3A_242 = arith.index_cast %parallel_loop3A_241 : i32 to index
      %parallel_loop3A_243 = arith.constant 0 : index
      %parallel_loop3A_244 = tpu.vector_load %arg7[%parallel_loop3A_242, %parallel_loop3A_243] {strides = array<i32>} : memref<256x128xf32, #tpu.memory_space<vmem>>, vector<1x16xf32>,
      %parallel_loop3A_245 = vector.shape_cast %parallel_loop3A_244 : vector<1x16xf32> to vector<16xf32>
      %parallel_loop3A_246 = vector.shape_cast %parallel_loop3A_239 : vector<16xf32> to vector<1x16xf32>
      tpu.vector_store %arg7[%parallel_loop3A_242, %parallel_loop3A_243], %parallel_loop3A_246 {strides = array<i32>} : memref<256x128xf32, #tpu.memory_space<vmem>>, vector<1x16xf32>,
      %parallel_loop3A_247 = arith.constant 0 : i32
      %parallel_loop3A_248 = arith.addi %parallel_loop3A_247, %parallel_loop3A_228 : i32
      %parallel_loop3A_249 = arith.index_cast %parallel_loop3A_248 : i32 to index
      %parallel_loop3A_250 = arith.constant 16 : index
      %parallel_loop3A_251 = tpu.vector_load %arg7[%parallel_loop3A_249, %parallel_loop3A_250] {strides = array<i32>} : memref<256x128xf32, #tpu.memory_space<vmem>>, vector<1x16xf32>,
      %parallel_loop3A_252 = vector.shape_cast %parallel_loop3A_251 : vector<1x16xf32> to vector<16xf32>
      %parallel_loop3A_253 = arith.index_cast %parallel_loop3A_228 : i32 to index
      %parallel_loop3A_254 = arith.constant 16 : index
      %parallel_loop3A_255 = tpu.vector_load %arg8[%parallel_loop3A_253, %parallel_loop3A_254] {strides = array<i32>} : memref<64x128xf32, #tpu.memory_space<vmem>>, vector<1x16xf32>,
      %parallel_loop3A_256 = vector.shape_cast %parallel_loop3A_255 : vector<1x16xf32> to vector<16xf32>
      %parallel_loop3A_257 = arith.addf %parallel_loop3A_252, %parallel_loop3A_256 : vector<16xf32>
      %parallel_loop3A_258 = arith.constant 0 : i32
      %parallel_loop3A_259 = arith.addi %parallel_loop3A_258, %parallel_loop3A_228 : i32
      %parallel_loop3A_260 = arith.index_cast %parallel_loop3A_259 : i32 to index
      %parallel_loop3A_261 = arith.constant 16 : index
      %parallel_loop3A_262 = tpu.vector_load %arg7[%parallel_loop3A_260, %parallel_loop3A_261] {strides = array<i32>} : memref<256x128xf32, #tpu.memory_space<vmem>>, vector<1x16xf32>,
      %parallel_loop3A_263 = vector.shape_cast %parallel_loop3A_262 : vector<1x16xf32> to vector<16xf32>
      %parallel_loop3A_264 = vector.shape_cast %parallel_loop3A_257 : vector<16xf32> to vector<1x16xf32>
      tpu.vector_store %arg7[%parallel_loop3A_260, %parallel_loop3A_261], %parallel_loop3A_264 {strides = array<i32>} : memref<256x128xf32, #tpu.memory_space<vmem>>, vector<1x16xf32>,
      %parallel_loop3A_265 = arith.constant 0 : i32
      %parallel_loop3A_266 = arith.addi %parallel_loop3A_265, %parallel_loop3A_228 : i32
      %parallel_loop3A_267 = arith.index_cast %parallel_loop3A_266 : i32 to index
      %parallel_loop3A_268 = arith.constant 32 : index
      %parallel_loop3A_269 = tpu.vector_load %arg7[%parallel_loop3A_267, %parallel_loop3A_268] {strides = array<i32>} : memref<256x128xf32, #tpu.memory_space<vmem>>, vector<1x16xf32>,
      %parallel_loop3A_270 = vector.shape_cast %parallel_loop3A_269 : vector<1x16xf32> to vector<16xf32>
      %parallel_loop3A_271 = arith.index_cast %parallel_loop3A_228 : i32 to index
      %parallel_loop3A_272 = arith.constant 32 : index
      %parallel_loop3A_273 = tpu.vector_load %arg8[%parallel_loop3A_271, %parallel_loop3A_272] {strides = array<i32>} : memref<64x128xf32, #tpu.memory_space<vmem>>, vector<1x16xf32>,
      %parallel_loop3A_274 = vector.shape_cast %parallel_loop3A_273 : vector<1x16xf32> to vector<16xf32>
      %parallel_loop3A_275 = arith.addf %parallel_loop3A_270, %parallel_loop3A_274 : vector<16xf32>
      %parallel_loop3A_276 = arith.constant 0 : i32
      %parallel_loop3A_277 = arith.addi %parallel_loop3A_276, %parallel_loop3A_228 : i32
      %parallel_loop3A_278 = arith.index_cast %parallel_loop3A_277 : i32 to index
      %parallel_loop3A_279 = arith.constant 32 : index
      %parallel_loop3A_280 = tpu.vector_load %arg7[%parallel_loop3A_278, %parallel_loop3A_279] {strides = array<i32>} : memref<256x128xf32, #tpu.memory_space<vmem>>, vector<1x16xf32>,
      %parallel_loop3A_281 = vector.shape_cast %parallel_loop3A_280 : vector<1x16xf32> to vector<16xf32>
      %parallel_loop3A_282 = vector.shape_cast %parallel_loop3A_275 : vector<16xf32> to vector<1x16xf32>
      tpu.vector_store %arg7[%parallel_loop3A_278, %parallel_loop3A_279], %parallel_loop3A_282 {strides = array<i32>} : memref<256x128xf32, #tpu.memory_space<vmem>>, vector<1x16xf32>,
      %parallel_loop3A_283 = arith.constant 0 : i32
      %parallel_loop3A_284 = arith.addi %parallel_loop3A_283, %parallel_loop3A_228 : i32
      %parallel_loop3A_285 = arith.index_cast %parallel_loop3A_284 : i32 to index
      %parallel_loop3A_286 = arith.constant 48 : index
      %parallel_loop3A_287 = tpu.vector_load %arg7[%parallel_loop3A_285, %parallel_loop3A_286] {strides = array<i32>} : memref<256x128xf32, #tpu.memory_space<vmem>>, vector<1x16xf32>,
      %parallel_loop3A_288 = vector.shape_cast %parallel_loop3A_287 : vector<1x16xf32> to vector<16xf32>
      %parallel_loop3A_289 = arith.index_cast %parallel_loop3A_228 : i32 to index
      %parallel_loop3A_290 = arith.constant 48 : index
      %parallel_loop3A_291 = tpu.vector_load %arg8[%parallel_loop3A_289, %parallel_loop3A_290] {strides = array<i32>} : memref<64x128xf32, #tpu.memory_space<vmem>>, vector<1x16xf32>,
      %parallel_loop3A_292 = vector.shape_cast %parallel_loop3A_291 : vector<1x16xf32> to vector<16xf32>
      %parallel_loop3A_293 = arith.addf %parallel_loop3A_288, %parallel_loop3A_292 : vector<16xf32>
      %parallel_loop3A_294 = arith.constant 0 : i32
      %parallel_loop3A_295 = arith.addi %parallel_loop3A_294, %parallel_loop3A_228 : i32
      %parallel_loop3A_296 = arith.index_cast %parallel_loop3A_295 : i32 to index
      %parallel_loop3A_297 = arith.constant 48 : index
      %parallel_loop3A_298 = tpu.vector_load %arg7[%parallel_loop3A_296, %parallel_loop3A_297] {strides = array<i32>} : memref<256x128xf32, #tpu.memory_space<vmem>>, vector<1x16xf32>,
      %parallel_loop3A_299 = vector.shape_cast %parallel_loop3A_298 : vector<1x16xf32> to vector<16xf32>
      %parallel_loop3A_300 = vector.shape_cast %parallel_loop3A_293 : vector<16xf32> to vector<1x16xf32>
      tpu.vector_store %arg7[%parallel_loop3A_296, %parallel_loop3A_297], %parallel_loop3A_300 {strides = array<i32>} : memref<256x128xf32, #tpu.memory_space<vmem>>, vector<1x16xf32>,
      %parallel_loop3A_301 = arith.constant 0 : i32
      %parallel_loop3A_302 = arith.addi %parallel_loop3A_301, %parallel_loop3A_228 : i32
      %parallel_loop3A_303 = arith.index_cast %parallel_loop3A_302 : i32 to index
      %parallel_loop3A_304 = arith.constant 64 : index
      %parallel_loop3A_305 = tpu.vector_load %arg7[%parallel_loop3A_303, %parallel_loop3A_304] {strides = array<i32>} : memref<256x128xf32, #tpu.memory_space<vmem>>, vector<1x16xf32>,
      %parallel_loop3A_306 = vector.shape_cast %parallel_loop3A_305 : vector<1x16xf32> to vector<16xf32>
      %parallel_loop3A_307 = arith.index_cast %parallel_loop3A_228 : i32 to index
      %parallel_loop3A_308 = arith.constant 64 : index
      %parallel_loop3A_309 = tpu.vector_load %arg8[%parallel_loop3A_307, %parallel_loop3A_308] {strides = array<i32>} : memref<64x128xf32, #tpu.memory_space<vmem>>, vector<1x16xf32>,
      %parallel_loop3A_310 = vector.shape_cast %parallel_loop3A_309 : vector<1x16xf32> to vector<16xf32>
      %parallel_loop3A_311 = arith.addf %parallel_loop3A_306, %parallel_loop3A_310 : vector<16xf32>
      %parallel_loop3A_312 = arith.constant 0 : i32
      %parallel_loop3A_313 = arith.addi %parallel_loop3A_312, %parallel_loop3A_228 : i32
      %parallel_loop3A_314 = arith.index_cast %parallel_loop3A_313 : i32 to index
      %parallel_loop3A_315 = arith.constant 64 : index
      %parallel_loop3A_316 = tpu.vector_load %arg7[%parallel_loop3A_314, %parallel_loop3A_315] {strides = array<i32>} : memref<256x128xf32, #tpu.memory_space<vmem>>, vector<1x16xf32>,
      %parallel_loop3A_317 = vector.shape_cast %parallel_loop3A_316 : vector<1x16xf32> to vector<16xf32>
      %parallel_loop3A_318 = vector.shape_cast %parallel_loop3A_311 : vector<16xf32> to vector<1x16xf32>
      tpu.vector_store %arg7[%parallel_loop3A_314, %parallel_loop3A_315], %parallel_loop3A_318 {strides = array<i32>} : memref<256x128xf32, #tpu.memory_space<vmem>>, vector<1x16xf32>,
      %parallel_loop3A_319 = arith.constant 0 : i32
      %parallel_loop3A_320 = arith.addi %parallel_loop3A_319, %parallel_loop3A_228 : i32
      %parallel_loop3A_321 = arith.index_cast %parallel_loop3A_320 : i32 to index
      %parallel_loop3A_322 = arith.constant 80 : index
      %parallel_loop3A_323 = tpu.vector_load %arg7[%parallel_loop3A_321, %parallel_loop3A_322] {strides = array<i32>} : memref<256x128xf32, #tpu.memory_space<vmem>>, vector<1x16xf32>,
      %parallel_loop3A_324 = vector.shape_cast %parallel_loop3A_323 : vector<1x16xf32> to vector<16xf32>
      %parallel_loop3A_325 = arith.index_cast %parallel_loop3A_228 : i32 to index
      %parallel_loop3A_326 = arith.constant 80 : index
      %parallel_loop3A_327 = tpu.vector_load %arg8[%parallel_loop3A_325, %parallel_loop3A_326] {strides = array<i32>} : memref<64x128xf32, #tpu.memory_space<vmem>>, vector<1x16xf32>,
      %parallel_loop3A_328 = vector.shape_cast %parallel_loop3A_327 : vector<1x16xf32> to vector<16xf32>
      %parallel_loop3A_329 = arith.addf %parallel_loop3A_324, %parallel_loop3A_328 : vector<16xf32>
      %parallel_loop3A_330 = arith.constant 0 : i32
      %parallel_loop3A_331 = arith.addi %parallel_loop3A_330, %parallel_loop3A_228 : i32
      %parallel_loop3A_332 = arith.index_cast %parallel_loop3A_331 : i32 to index
      %parallel_loop3A_333 = arith.constant 80 : index
      %parallel_loop3A_334 = tpu.vector_load %arg7[%parallel_loop3A_332, %parallel_loop3A_333] {strides = array<i32>} : memref<256x128xf32, #tpu.memory_space<vmem>>, vector<1x16xf32>,
      %parallel_loop3A_335 = vector.shape_cast %parallel_loop3A_334 : vector<1x16xf32> to vector<16xf32>
      %parallel_loop3A_336 = vector.shape_cast %parallel_loop3A_329 : vector<16xf32> to vector<1x16xf32>
      tpu.vector_store %arg7[%parallel_loop3A_332, %parallel_loop3A_333], %parallel_loop3A_336 {strides = array<i32>} : memref<256x128xf32, #tpu.memory_space<vmem>>, vector<1x16xf32>,
      %parallel_loop3A_337 = arith.constant 0 : i32
      %parallel_loop3A_338 = arith.addi %parallel_loop3A_337, %parallel_loop3A_228 : i32
      %parallel_loop3A_339 = arith.index_cast %parallel_loop3A_338 : i32 to index
      %parallel_loop3A_340 = arith.constant 96 : index
      %parallel_loop3A_341 = tpu.vector_load %arg7[%parallel_loop3A_339, %parallel_loop3A_340] {strides = array<i32>} : memref<256x128xf32, #tpu.memory_space<vmem>>, vector<1x16xf32>,
      %parallel_loop3A_342 = vector.shape_cast %parallel_loop3A_341 : vector<1x16xf32> to vector<16xf32>
      %parallel_loop3A_343 = arith.index_cast %parallel_loop3A_228 : i32 to index
      %parallel_loop3A_344 = arith.constant 96 : index
      %parallel_loop3A_345 = tpu.vector_load %arg8[%parallel_loop3A_343, %parallel_loop3A_344] {strides = array<i32>} : memref<64x128xf32, #tpu.memory_space<vmem>>, vector<1x16xf32>,
      %parallel_loop3A_346 = vector.shape_cast %parallel_loop3A_345 : vector<1x16xf32> to vector<16xf32>
      %parallel_loop3A_347 = arith.addf %parallel_loop3A_342, %parallel_loop3A_346 : vector<16xf32>
      %parallel_loop3A_348 = arith.constant 0 : i32
      %parallel_loop3A_349 = arith.addi %parallel_loop3A_348, %parallel_loop3A_228 : i32
      %parallel_loop3A_350 = arith.index_cast %parallel_loop3A_349 : i32 to index
      %parallel_loop3A_351 = arith.constant 96 : index
      %parallel_loop3A_352 = tpu.vector_load %arg7[%parallel_loop3A_350, %parallel_loop3A_351] {strides = array<i32>} : memref<256x128xf32, #tpu.memory_space<vmem>>, vector<1x16xf32>,
      %parallel_loop3A_353 = vector.shape_cast %parallel_loop3A_352 : vector<1x16xf32> to vector<16xf32>
      %parallel_loop3A_354 = vector.shape_cast %parallel_loop3A_347 : vector<16xf32> to vector<1x16xf32>
      tpu.vector_store %arg7[%parallel_loop3A_350, %parallel_loop3A_351], %parallel_loop3A_354 {strides = array<i32>} : memref<256x128xf32, #tpu.memory_space<vmem>>, vector<1x16xf32>,
      %parallel_loop3A_355 = arith.constant 0 : i32
      %parallel_loop3A_356 = arith.addi %parallel_loop3A_355, %parallel_loop3A_228 : i32
      %parallel_loop3A_357 = arith.index_cast %parallel_loop3A_356 : i32 to index
      %parallel_loop3A_358 = arith.constant 112 : index
      %parallel_loop3A_359 = tpu.vector_load %arg7[%parallel_loop3A_357, %parallel_loop3A_358] {strides = array<i32>} : memref<256x128xf32, #tpu.memory_space<vmem>>, vector<1x16xf32>,
      %parallel_loop3A_360 = vector.shape_cast %parallel_loop3A_359 : vector<1x16xf32> to vector<16xf32>
      %parallel_loop3A_361 = arith.index_cast %parallel_loop3A_228 : i32 to index
      %parallel_loop3A_362 = arith.constant 112 : index
      %parallel_loop3A_363 = tpu.vector_load %arg8[%parallel_loop3A_361, %parallel_loop3A_362] {strides = array<i32>} : memref<64x128xf32, #tpu.memory_space<vmem>>, vector<1x16xf32>,
      %parallel_loop3A_364 = vector.shape_cast %parallel_loop3A_363 : vector<1x16xf32> to vector<16xf32>
      %parallel_loop3A_365 = arith.addf %parallel_loop3A_360, %parallel_loop3A_364 : vector<16xf32>
      %parallel_loop3A_366 = arith.constant 0 : i32
      %parallel_loop3A_367 = arith.addi %parallel_loop3A_366, %parallel_loop3A_228 : i32
      %parallel_loop3A_368 = arith.index_cast %parallel_loop3A_367 : i32 to index
      %parallel_loop3A_369 = arith.constant 112 : index
      %parallel_loop3A_370 = tpu.vector_load %arg7[%parallel_loop3A_368, %parallel_loop3A_369] {strides = array<i32>} : memref<256x128xf32, #tpu.memory_space<vmem>>, vector<1x16xf32>,
      %parallel_loop3A_371 = vector.shape_cast %parallel_loop3A_370 : vector<1x16xf32> to vector<16xf32>
      %parallel_loop3A_372 = vector.shape_cast %parallel_loop3A_365 : vector<16xf32> to vector<1x16xf32>
      tpu.vector_store %arg7[%parallel_loop3A_368, %parallel_loop3A_369], %parallel_loop3A_372 {strides = array<i32>} : memref<256x128xf32, #tpu.memory_space<vmem>>, vector<1x16xf32>,
    } {sc.loop_unroll_factor = 2 : i64, sc.parallel_access}
    %add3A_107 = arith.constant 0 : i32
    %add3A_108 = arith.addi %add3A_107, %mul3A_2 : i32
    %dma_start3A_109 = arith.constant 0 : i32
    %dma_start3A_110 = arith.constant 0 : i32
    %dma_start3A_111 = tpu.memref_slice %arg7[%dma_start3A_109, %dma_start3A_110] : memref<256x128xf32, #tpu.memory_space<vmem>> -> memref<64x128xf32, #tpu.memory_space<vmem>>
    %dma_start3A_112 = arith.constant 0 : i32
    %dma_start3A_113 = tpu.memref_slice %arg5[%add3A_108, %dma_start3A_112] : memref<8192x128xf32, #tpu.memory_space<hbm>> -> memref<64x128xf32, #tpu.memory_space<hbm>>
    %dma_start3A_114 = arith.constant 0 : i32
    %dma_start3A_115 = tpu.memref_slice %arg5[%add3A_108, %dma_start3A_114] : memref<8192x128xf32, #tpu.memory_space<hbm>> -> memref<64x128xf32, #tpu.memory_space<hbm>>
    %dma_start3A_116 = arith.constant 0 : i32
    %dma_start3A_117 = arith.constant 0 : i32
    %dma_start3A_118 = tpu.memref_slice %arg7[%dma_start3A_116, %dma_start3A_117] : memref<256x128xf32, #tpu.memory_space<vmem>> -> memref<64x128xf32, #tpu.memory_space<vmem>>
    tpu.enqueue_dma source(%dma_start3A_118 : memref<64x128xf32, #tpu.memory_space<vmem>>) target(%dma_start3A_115 : memref<64x128xf32, #tpu.memory_space<hbm>>) target_semaphore(%arg14 : memref<!tpu.dma_semaphore, #tpu.memory_space<semaphore_mem>>)
    %dma_wait3A_119 = arith.constant 64 : i32
    %dma_wait3A_120 = arith.constant 0 : i32
    %dma_wait3A_121 = tpu.memref_slice %arg7[%dma_wait3A_119, %dma_wait3A_120] : memref<256x128xf32, #tpu.memory_space<vmem>> -> memref<64x128xf32, #tpu.memory_space<vmem>>
    %dma_wait3A_122 = arith.constant 64 : i32
    %dma_wait3A_123 = tpu.memref_slice %arg6[%dma_wait3A_122] : memref<256xi32, #tpu.memory_space<vmem>> -> memref<64xi32, #tpu.memory_space<vmem>>
    %dma_wait3A_124 = arith.constant 0 : i32
    %dma_wait3A_125 = arith.constant 0 : i32
    %dma_wait3A_126 = tpu.memref_slice %arg3[%dma_wait3A_124, %dma_wait3A_125] : memref<1000000x128xf32, #tpu.memory_space<hbm>> -> memref<1000000x128xf32, #tpu.memory_space<hbm>>
    tpu.wait_indirect_dma semaphore(%arg11 : memref<!tpu.dma_semaphore, #tpu.memory_space<semaphore_mem>>) src(%dma_wait3A_126 : memref<1000000x128xf32, #tpu.memory_space<hbm>>) dst(%dma_wait3A_121 : memref<64x128xf32, #tpu.memory_space<vmem>>)
    %parallel_loop3A_127 = arith.constant 0 : i32
    %parallel_loop3A_128 = arith.constant 64 : i32
    %parallel_loop3A_129 = arith.constant 1 : i32
    scf.for %parallel_loop3A_228 = %parallel_loop3A_127 to %parallel_loop3A_128 step %parallel_loop3A_129  : i32 {
      %parallel_loop3A_229 = arith.constant 64 : i32
      %parallel_loop3A_230 = arith.addi %parallel_loop3A_229, %parallel_loop3A_228 : i32
      %parallel_loop3A_231 = arith.index_cast %parallel_loop3A_230 : i32 to index
      %parallel_loop3A_232 = arith.constant 0 : index
      %parallel_loop3A_233 = tpu.vector_load %arg7[%parallel_loop3A_231, %parallel_loop3A_232] {strides = array<i32>} : memref<256x128xf32, #tpu.memory_space<vmem>>, vector<1x16xf32>,
      %parallel_loop3A_234 = vector.shape_cast %parallel_loop3A_233 : vector<1x16xf32> to vector<16xf32>
      %parallel_loop3A_235 = arith.index_cast %parallel_loop3A_228 : i32 to index
      %parallel_loop3A_236 = arith.constant 0 : index
      %parallel_loop3A_237 = tpu.vector_load %arg8[%parallel_loop3A_235, %parallel_loop3A_236] {strides = array<i32>} : memref<64x128xf32, #tpu.memory_space<vmem>>, vector<1x16xf32>,
      %parallel_loop3A_238 = vector.shape_cast %parallel_loop3A_237 : vector<1x16xf32> to vector<16xf32>
      %parallel_loop3A_239 = arith.addf %parallel_loop3A_234, %parallel_loop3A_238 : vector<16xf32>
      %parallel_loop3A_240 = arith.constant 64 : i32
      %parallel_loop3A_241 = arith.addi %parallel_loop3A_240, %parallel_loop3A_228 : i32
      %parallel_loop3A_242 = arith.index_cast %parallel_loop3A_241 : i32 to index
      %parallel_loop3A_243 = arith.constant 0 : index
      %parallel_loop3A_244 = tpu.vector_load %arg7[%parallel_loop3A_242, %parallel_loop3A_243] {strides = array<i32>} : memref<256x128xf32, #tpu.memory_space<vmem>>, vector<1x16xf32>,
      %parallel_loop3A_245 = vector.shape_cast %parallel_loop3A_244 : vector<1x16xf32> to vector<16xf32>
      %parallel_loop3A_246 = vector.shape_cast %parallel_loop3A_239 : vector<16xf32> to vector<1x16xf32>
      tpu.vector_store %arg7[%parallel_loop3A_242, %parallel_loop3A_243], %parallel_loop3A_246 {strides = array<i32>} : memref<256x128xf32, #tpu.memory_space<vmem>>, vector<1x16xf32>,
      %parallel_loop3A_247 = arith.constant 64 : i32
      %parallel_loop3A_248 = arith.addi %parallel_loop3A_247, %parallel_loop3A_228 : i32
      %parallel_loop3A_249 = arith.index_cast %parallel_loop3A_248 : i32 to index
      %parallel_loop3A_250 = arith.constant 16 : index
      %parallel_loop3A_251 = tpu.vector_load %arg7[%parallel_loop3A_249, %parallel_loop3A_250] {strides = array<i32>} : memref<256x128xf32, #tpu.memory_space<vmem>>, vector<1x16xf32>,
      %parallel_loop3A_252 = vector.shape_cast %parallel_loop3A_251 : vector<1x16xf32> to vector<16xf32>
      %parallel_loop3A_253 = arith.index_cast %parallel_loop3A_228 : i32 to index
      %parallel_loop3A_254 = arith.constant 16 : index
      %parallel_loop3A_255 = tpu.vector_load %arg8[%parallel_loop3A_253, %parallel_loop3A_254] {strides = array<i32>} : memref<64x128xf32, #tpu.memory_space<vmem>>, vector<1x16xf32>,
      %parallel_loop3A_256 = vector.shape_cast %parallel_loop3A_255 : vector<1x16xf32> to vector<16xf32>
      %parallel_loop3A_257 = arith.addf %parallel_loop3A_252, %parallel_loop3A_256 : vector<16xf32>
      %parallel_loop3A_258 = arith.constant 64 : i32
      %parallel_loop3A_259 = arith.addi %parallel_loop3A_258, %parallel_loop3A_228 : i32
      %parallel_loop3A_260 = arith.index_cast %parallel_loop3A_259 : i32 to index
      %parallel_loop3A_261 = arith.constant 16 : index
      %parallel_loop3A_262 = tpu.vector_load %arg7[%parallel_loop3A_260, %parallel_loop3A_261] {strides = array<i32>} : memref<256x128xf32, #tpu.memory_space<vmem>>, vector<1x16xf32>,
      %parallel_loop3A_263 = vector.shape_cast %parallel_loop3A_262 : vector<1x16xf32> to vector<16xf32>
      %parallel_loop3A_264 = vector.shape_cast %parallel_loop3A_257 : vector<16xf32> to vector<1x16xf32>
      tpu.vector_store %arg7[%parallel_loop3A_260, %parallel_loop3A_261], %parallel_loop3A_264 {strides = array<i32>} : memref<256x128xf32, #tpu.memory_space<vmem>>, vector<1x16xf32>,
      %parallel_loop3A_265 = arith.constant 64 : i32
      %parallel_loop3A_266 = arith.addi %parallel_loop3A_265, %parallel_loop3A_228 : i32
      %parallel_loop3A_267 = arith.index_cast %parallel_loop3A_266 : i32 to index
      %parallel_loop3A_268 = arith.constant 32 : index
      %parallel_loop3A_269 = tpu.vector_load %arg7[%parallel_loop3A_267, %parallel_loop3A_268] {strides = array<i32>} : memref<256x128xf32, #tpu.memory_space<vmem>>, vector<1x16xf32>,
      %parallel_loop3A_270 = vector.shape_cast %parallel_loop3A_269 : vector<1x16xf32> to vector<16xf32>
      %parallel_loop3A_271 = arith.index_cast %parallel_loop3A_228 : i32 to index
      %parallel_loop3A_272 = arith.constant 32 : index
      %parallel_loop3A_273 = tpu.vector_load %arg8[%parallel_loop3A_271, %parallel_loop3A_272] {strides = array<i32>} : memref<64x128xf32, #tpu.memory_space<vmem>>, vector<1x16xf32>,
      %parallel_loop3A_274 = vector.shape_cast %parallel_loop3A_273 : vector<1x16xf32> to vector<16xf32>
      %parallel_loop3A_275 = arith.addf %parallel_loop3A_270, %parallel_loop3A_274 : vector<16xf32>
      %parallel_loop3A_276 = arith.constant 64 : i32
      %parallel_loop3A_277 = arith.addi %parallel_loop3A_276, %parallel_loop3A_228 : i32
      %parallel_loop3A_278 = arith.index_cast %parallel_loop3A_277 : i32 to index
      %parallel_loop3A_279 = arith.constant 32 : index
      %parallel_loop3A_280 = tpu.vector_load %arg7[%parallel_loop3A_278, %parallel_loop3A_279] {strides = array<i32>} : memref<256x128xf32, #tpu.memory_space<vmem>>, vector<1x16xf32>,
      %parallel_loop3A_281 = vector.shape_cast %parallel_loop3A_280 : vector<1x16xf32> to vector<16xf32>
      %parallel_loop3A_282 = vector.shape_cast %parallel_loop3A_275 : vector<16xf32> to vector<1x16xf32>
      tpu.vector_store %arg7[%parallel_loop3A_278, %parallel_loop3A_279], %parallel_loop3A_282 {strides = array<i32>} : memref<256x128xf32, #tpu.memory_space<vmem>>, vector<1x16xf32>,
      %parallel_loop3A_283 = arith.constant 64 : i32
      %parallel_loop3A_284 = arith.addi %parallel_loop3A_283, %parallel_loop3A_228 : i32
      %parallel_loop3A_285 = arith.index_cast %parallel_loop3A_284 : i32 to index
      %parallel_loop3A_286 = arith.constant 48 : index
      %parallel_loop3A_287 = tpu.vector_load %arg7[%parallel_loop3A_285, %parallel_loop3A_286] {strides = array<i32>} : memref<256x128xf32, #tpu.memory_space<vmem>>, vector<1x16xf32>,
      %parallel_loop3A_288 = vector.shape_cast %parallel_loop3A_287 : vector<1x16xf32> to vector<16xf32>
      %parallel_loop3A_289 = arith.index_cast %parallel_loop3A_228 : i32 to index
      %parallel_loop3A_290 = arith.constant 48 : index
      %parallel_loop3A_291 = tpu.vector_load %arg8[%parallel_loop3A_289, %parallel_loop3A_290] {strides = array<i32>} : memref<64x128xf32, #tpu.memory_space<vmem>>, vector<1x16xf32>,
      %parallel_loop3A_292 = vector.shape_cast %parallel_loop3A_291 : vector<1x16xf32> to vector<16xf32>
      %parallel_loop3A_293 = arith.addf %parallel_loop3A_288, %parallel_loop3A_292 : vector<16xf32>
      %parallel_loop3A_294 = arith.constant 64 : i32
      %parallel_loop3A_295 = arith.addi %parallel_loop3A_294, %parallel_loop3A_228 : i32
      %parallel_loop3A_296 = arith.index_cast %parallel_loop3A_295 : i32 to index
      %parallel_loop3A_297 = arith.constant 48 : index
      %parallel_loop3A_298 = tpu.vector_load %arg7[%parallel_loop3A_296, %parallel_loop3A_297] {strides = array<i32>} : memref<256x128xf32, #tpu.memory_space<vmem>>, vector<1x16xf32>,
      %parallel_loop3A_299 = vector.shape_cast %parallel_loop3A_298 : vector<1x16xf32> to vector<16xf32>
      %parallel_loop3A_300 = vector.shape_cast %parallel_loop3A_293 : vector<16xf32> to vector<1x16xf32>
      tpu.vector_store %arg7[%parallel_loop3A_296, %parallel_loop3A_297], %parallel_loop3A_300 {strides = array<i32>} : memref<256x128xf32, #tpu.memory_space<vmem>>, vector<1x16xf32>,
      %parallel_loop3A_301 = arith.constant 64 : i32
      %parallel_loop3A_302 = arith.addi %parallel_loop3A_301, %parallel_loop3A_228 : i32
      %parallel_loop3A_303 = arith.index_cast %parallel_loop3A_302 : i32 to index
      %parallel_loop3A_304 = arith.constant 64 : index
      %parallel_loop3A_305 = tpu.vector_load %arg7[%parallel_loop3A_303, %parallel_loop3A_304] {strides = array<i32>} : memref<256x128xf32, #tpu.memory_space<vmem>>, vector<1x16xf32>,
      %parallel_loop3A_306 = vector.shape_cast %parallel_loop3A_305 : vector<1x16xf32> to vector<16xf32>
      %parallel_loop3A_307 = arith.index_cast %parallel_loop3A_228 : i32 to index
      %parallel_loop3A_308 = arith.constant 64 : index
      %parallel_loop3A_309 = tpu.vector_load %arg8[%parallel_loop3A_307, %parallel_loop3A_308] {strides = array<i32>} : memref<64x128xf32, #tpu.memory_space<vmem>>, vector<1x16xf32>,
      %parallel_loop3A_310 = vector.shape_cast %parallel_loop3A_309 : vector<1x16xf32> to vector<16xf32>
      %parallel_loop3A_311 = arith.addf %parallel_loop3A_306, %parallel_loop3A_310 : vector<16xf32>
      %parallel_loop3A_312 = arith.constant 64 : i32
      %parallel_loop3A_313 = arith.addi %parallel_loop3A_312, %parallel_loop3A_228 : i32
      %parallel_loop3A_314 = arith.index_cast %parallel_loop3A_313 : i32 to index
      %parallel_loop3A_315 = arith.constant 64 : index
      %parallel_loop3A_316 = tpu.vector_load %arg7[%parallel_loop3A_314, %parallel_loop3A_315] {strides = array<i32>} : memref<256x128xf32, #tpu.memory_space<vmem>>, vector<1x16xf32>,
      %parallel_loop3A_317 = vector.shape_cast %parallel_loop3A_316 : vector<1x16xf32> to vector<16xf32>
      %parallel_loop3A_318 = vector.shape_cast %parallel_loop3A_311 : vector<16xf32> to vector<1x16xf32>
      tpu.vector_store %arg7[%parallel_loop3A_314, %parallel_loop3A_315], %parallel_loop3A_318 {strides = array<i32>} : memref<256x128xf32, #tpu.memory_space<vmem>>, vector<1x16xf32>,
      %parallel_loop3A_319 = arith.constant 64 : i32
      %parallel_loop3A_320 = arith.addi %parallel_loop3A_319, %parallel_loop3A_228 : i32
      %parallel_loop3A_321 = arith.index_cast %parallel_loop3A_320 : i32 to index
      %parallel_loop3A_322 = arith.constant 80 : index
      %parallel_loop3A_323 = tpu.vector_load %arg7[%parallel_loop3A_321, %parallel_loop3A_322] {strides = array<i32>} : memref<256x128xf32, #tpu.memory_space<vmem>>, vector<1x16xf32>,
      %parallel_loop3A_324 = vector.shape_cast %parallel_loop3A_323 : vector<1x16xf32> to vector<16xf32>
      %parallel_loop3A_325 = arith.index_cast %parallel_loop3A_228 : i32 to index
      %parallel_loop3A_326 = arith.constant 80 : index
      %parallel_loop3A_327 = tpu.vector_load %arg8[%parallel_loop3A_325, %parallel_loop3A_326] {strides = array<i32>} : memref<64x128xf32, #tpu.memory_space<vmem>>, vector<1x16xf32>,
      %parallel_loop3A_328 = vector.shape_cast %parallel_loop3A_327 : vector<1x16xf32> to vector<16xf32>
      %parallel_loop3A_329 = arith.addf %parallel_loop3A_324, %parallel_loop3A_328 : vector<16xf32>
      %parallel_loop3A_330 = arith.constant 64 : i32
      %parallel_loop3A_331 = arith.addi %parallel_loop3A_330, %parallel_loop3A_228 : i32
      %parallel_loop3A_332 = arith.index_cast %parallel_loop3A_331 : i32 to index
      %parallel_loop3A_333 = arith.constant 80 : index
      %parallel_loop3A_334 = tpu.vector_load %arg7[%parallel_loop3A_332, %parallel_loop3A_333] {strides = array<i32>} : memref<256x128xf32, #tpu.memory_space<vmem>>, vector<1x16xf32>,
      %parallel_loop3A_335 = vector.shape_cast %parallel_loop3A_334 : vector<1x16xf32> to vector<16xf32>
      %parallel_loop3A_336 = vector.shape_cast %parallel_loop3A_329 : vector<16xf32> to vector<1x16xf32>
      tpu.vector_store %arg7[%parallel_loop3A_332, %parallel_loop3A_333], %parallel_loop3A_336 {strides = array<i32>} : memref<256x128xf32, #tpu.memory_space<vmem>>, vector<1x16xf32>,
      %parallel_loop3A_337 = arith.constant 64 : i32
      %parallel_loop3A_338 = arith.addi %parallel_loop3A_337, %parallel_loop3A_228 : i32
      %parallel_loop3A_339 = arith.index_cast %parallel_loop3A_338 : i32 to index
      %parallel_loop3A_340 = arith.constant 96 : index
      %parallel_loop3A_341 = tpu.vector_load %arg7[%parallel_loop3A_339, %parallel_loop3A_340] {strides = array<i32>} : memref<256x128xf32, #tpu.memory_space<vmem>>, vector<1x16xf32>,
      %parallel_loop3A_342 = vector.shape_cast %parallel_loop3A_341 : vector<1x16xf32> to vector<16xf32>
      %parallel_loop3A_343 = arith.index_cast %parallel_loop3A_228 : i32 to index
      %parallel_loop3A_344 = arith.constant 96 : index
      %parallel_loop3A_345 = tpu.vector_load %arg8[%parallel_loop3A_343, %parallel_loop3A_344] {strides = array<i32>} : memref<64x128xf32, #tpu.memory_space<vmem>>, vector<1x16xf32>,
      %parallel_loop3A_346 = vector.shape_cast %parallel_loop3A_345 : vector<1x16xf32> to vector<16xf32>
      %parallel_loop3A_347 = arith.addf %parallel_loop3A_342, %parallel_loop3A_346 : vector<16xf32>
      %parallel_loop3A_348 = arith.constant 64 : i32
      %parallel_loop3A_349 = arith.addi %parallel_loop3A_348, %parallel_loop3A_228 : i32
      %parallel_loop3A_350 = arith.index_cast %parallel_loop3A_349 : i32 to index
      %parallel_loop3A_351 = arith.constant 96 : index
      %parallel_loop3A_352 = tpu.vector_load %arg7[%parallel_loop3A_350, %parallel_loop3A_351] {strides = array<i32>} : memref<256x128xf32, #tpu.memory_space<vmem>>, vector<1x16xf32>,
      %parallel_loop3A_353 = vector.shape_cast %parallel_loop3A_352 : vector<1x16xf32> to vector<16xf32>
      %parallel_loop3A_354 = vector.shape_cast %parallel_loop3A_347 : vector<16xf32> to vector<1x16xf32>
      tpu.vector_store %arg7[%parallel_loop3A_350, %parallel_loop3A_351], %parallel_loop3A_354 {strides = array<i32>} : memref<256x128xf32, #tpu.memory_space<vmem>>, vector<1x16xf32>,
      %parallel_loop3A_355 = arith.constant 64 : i32
      %parallel_loop3A_356 = arith.addi %parallel_loop3A_355, %parallel_loop3A_228 : i32
      %parallel_loop3A_357 = arith.index_cast %parallel_loop3A_356 : i32 to index
      %parallel_loop3A_358 = arith.constant 112 : index
      %parallel_loop3A_359 = tpu.vector_load %arg7[%parallel_loop3A_357, %parallel_loop3A_358] {strides = array<i32>} : memref<256x128xf32, #tpu.memory_space<vmem>>, vector<1x16xf32>,
      %parallel_loop3A_360 = vector.shape_cast %parallel_loop3A_359 : vector<1x16xf32> to vector<16xf32>
      %parallel_loop3A_361 = arith.index_cast %parallel_loop3A_228 : i32 to index
      %parallel_loop3A_362 = arith.constant 112 : index
      %parallel_loop3A_363 = tpu.vector_load %arg8[%parallel_loop3A_361, %parallel_loop3A_362] {strides = array<i32>} : memref<64x128xf32, #tpu.memory_space<vmem>>, vector<1x16xf32>,
      %parallel_loop3A_364 = vector.shape_cast %parallel_loop3A_363 : vector<1x16xf32> to vector<16xf32>
      %parallel_loop3A_365 = arith.addf %parallel_loop3A_360, %parallel_loop3A_364 : vector<16xf32>
      %parallel_loop3A_366 = arith.constant 64 : i32
      %parallel_loop3A_367 = arith.addi %parallel_loop3A_366, %parallel_loop3A_228 : i32
      %parallel_loop3A_368 = arith.index_cast %parallel_loop3A_367 : i32 to index
      %parallel_loop3A_369 = arith.constant 112 : index
      %parallel_loop3A_370 = tpu.vector_load %arg7[%parallel_loop3A_368, %parallel_loop3A_369] {strides = array<i32>} : memref<256x128xf32, #tpu.memory_space<vmem>>, vector<1x16xf32>,
      %parallel_loop3A_371 = vector.shape_cast %parallel_loop3A_370 : vector<1x16xf32> to vector<16xf32>
      %parallel_loop3A_372 = vector.shape_cast %parallel_loop3A_365 : vector<16xf32> to vector<1x16xf32>
      tpu.vector_store %arg7[%parallel_loop3A_368, %parallel_loop3A_369], %parallel_loop3A_372 {strides = array<i32>} : memref<256x128xf32, #tpu.memory_space<vmem>>, vector<1x16xf32>,
    } {sc.loop_unroll_factor = 2 : i64, sc.parallel_access}
    %add3A_130 = arith.constant 2048 : i32
    %add3A_131 = arith.addi %add3A_130, %mul3A_2 : i32
    %dma_start3A_132 = arith.constant 64 : i32
    %dma_start3A_133 = arith.constant 0 : i32
    %dma_start3A_134 = tpu.memref_slice %arg7[%dma_start3A_132, %dma_start3A_133] : memref<256x128xf32, #tpu.memory_space<vmem>> -> memref<64x128xf32, #tpu.memory_space<vmem>>
    %dma_start3A_135 = arith.constant 0 : i32
    %dma_start3A_136 = tpu.memref_slice %arg5[%add3A_131, %dma_start3A_135] : memref<8192x128xf32, #tpu.memory_space<hbm>> -> memref<64x128xf32, #tpu.memory_space<hbm>>
    %dma_start3A_137 = arith.constant 0 : i32
    %dma_start3A_138 = tpu.memref_slice %arg5[%add3A_131, %dma_start3A_137] : memref<8192x128xf32, #tpu.memory_space<hbm>> -> memref<64x128xf32, #tpu.memory_space<hbm>>
    %dma_start3A_139 = arith.constant 64 : i32
    %dma_start3A_140 = arith.constant 0 : i32
    %dma_start3A_141 = tpu.memref_slice %arg7[%dma_start3A_139, %dma_start3A_140] : memref<256x128xf32, #tpu.memory_space<vmem>> -> memref<64x128xf32, #tpu.memory_space<vmem>>
    tpu.enqueue_dma source(%dma_start3A_141 : memref<64x128xf32, #tpu.memory_space<vmem>>) target(%dma_start3A_138 : memref<64x128xf32, #tpu.memory_space<hbm>>) target_semaphore(%arg14 : memref<!tpu.dma_semaphore, #tpu.memory_space<semaphore_mem>>)
    %dma_wait3A_142 = arith.constant 128 : i32
    %dma_wait3A_143 = arith.constant 0 : i32
    %dma_wait3A_144 = tpu.memref_slice %arg7[%dma_wait3A_142, %dma_wait3A_143] : memref<256x128xf32, #tpu.memory_space<vmem>> -> memref<64x128xf32, #tpu.memory_space<vmem>>
    %dma_wait3A_145 = arith.constant 128 : i32
    %dma_wait3A_146 = tpu.memref_slice %arg6[%dma_wait3A_145] : memref<256xi32, #tpu.memory_space<vmem>> -> memref<64xi32, #tpu.memory_space<vmem>>
    %dma_wait3A_147 = arith.constant 0 : i32
    %dma_wait3A_148 = arith.constant 0 : i32
    %dma_wait3A_149 = tpu.memref_slice %arg3[%dma_wait3A_147, %dma_wait3A_148] : memref<1000000x128xf32, #tpu.memory_space<hbm>> -> memref<1000000x128xf32, #tpu.memory_space<hbm>>
    tpu.wait_indirect_dma semaphore(%arg12 : memref<!tpu.dma_semaphore, #tpu.memory_space<semaphore_mem>>) src(%dma_wait3A_149 : memref<1000000x128xf32, #tpu.memory_space<hbm>>) dst(%dma_wait3A_144 : memref<64x128xf32, #tpu.memory_space<vmem>>)
    %parallel_loop3A_150 = arith.constant 0 : i32
    %parallel_loop3A_151 = arith.constant 64 : i32
    %parallel_loop3A_152 = arith.constant 1 : i32
    scf.for %parallel_loop3A_228 = %parallel_loop3A_150 to %parallel_loop3A_151 step %parallel_loop3A_152  : i32 {
      %parallel_loop3A_229 = arith.constant 128 : i32
      %parallel_loop3A_230 = arith.addi %parallel_loop3A_229, %parallel_loop3A_228 : i32
      %parallel_loop3A_231 = arith.index_cast %parallel_loop3A_230 : i32 to index
      %parallel_loop3A_232 = arith.constant 0 : index
      %parallel_loop3A_233 = tpu.vector_load %arg7[%parallel_loop3A_231, %parallel_loop3A_232] {strides = array<i32>} : memref<256x128xf32, #tpu.memory_space<vmem>>, vector<1x16xf32>,
      %parallel_loop3A_234 = vector.shape_cast %parallel_loop3A_233 : vector<1x16xf32> to vector<16xf32>
      %parallel_loop3A_235 = arith.index_cast %parallel_loop3A_228 : i32 to index
      %parallel_loop3A_236 = arith.constant 0 : index
      %parallel_loop3A_237 = tpu.vector_load %arg8[%parallel_loop3A_235, %parallel_loop3A_236] {strides = array<i32>} : memref<64x128xf32, #tpu.memory_space<vmem>>, vector<1x16xf32>,
      %parallel_loop3A_238 = vector.shape_cast %parallel_loop3A_237 : vector<1x16xf32> to vector<16xf32>
      %parallel_loop3A_239 = arith.addf %parallel_loop3A_234, %parallel_loop3A_238 : vector<16xf32>
      %parallel_loop3A_240 = arith.constant 128 : i32
      %parallel_loop3A_241 = arith.addi %parallel_loop3A_240, %parallel_loop3A_228 : i32
      %parallel_loop3A_242 = arith.index_cast %parallel_loop3A_241 : i32 to index
      %parallel_loop3A_243 = arith.constant 0 : index
      %parallel_loop3A_244 = tpu.vector_load %arg7[%parallel_loop3A_242, %parallel_loop3A_243] {strides = array<i32>} : memref<256x128xf32, #tpu.memory_space<vmem>>, vector<1x16xf32>,
      %parallel_loop3A_245 = vector.shape_cast %parallel_loop3A_244 : vector<1x16xf32> to vector<16xf32>
      %parallel_loop3A_246 = vector.shape_cast %parallel_loop3A_239 : vector<16xf32> to vector<1x16xf32>
      tpu.vector_store %arg7[%parallel_loop3A_242, %parallel_loop3A_243], %parallel_loop3A_246 {strides = array<i32>} : memref<256x128xf32, #tpu.memory_space<vmem>>, vector<1x16xf32>,
      %parallel_loop3A_247 = arith.constant 128 : i32
      %parallel_loop3A_248 = arith.addi %parallel_loop3A_247, %parallel_loop3A_228 : i32
      %parallel_loop3A_249 = arith.index_cast %parallel_loop3A_248 : i32 to index
      %parallel_loop3A_250 = arith.constant 16 : index
      %parallel_loop3A_251 = tpu.vector_load %arg7[%parallel_loop3A_249, %parallel_loop3A_250] {strides = array<i32>} : memref<256x128xf32, #tpu.memory_space<vmem>>, vector<1x16xf32>,
      %parallel_loop3A_252 = vector.shape_cast %parallel_loop3A_251 : vector<1x16xf32> to vector<16xf32>
      %parallel_loop3A_253 = arith.index_cast %parallel_loop3A_228 : i32 to index
      %parallel_loop3A_254 = arith.constant 16 : index
      %parallel_loop3A_255 = tpu.vector_load %arg8[%parallel_loop3A_253, %parallel_loop3A_254] {strides = array<i32>} : memref<64x128xf32, #tpu.memory_space<vmem>>, vector<1x16xf32>,
      %parallel_loop3A_256 = vector.shape_cast %parallel_loop3A_255 : vector<1x16xf32> to vector<16xf32>
      %parallel_loop3A_257 = arith.addf %parallel_loop3A_252, %parallel_loop3A_256 : vector<16xf32>
      %parallel_loop3A_258 = arith.constant 128 : i32
      %parallel_loop3A_259 = arith.addi %parallel_loop3A_258, %parallel_loop3A_228 : i32
      %parallel_loop3A_260 = arith.index_cast %parallel_loop3A_259 : i32 to index
      %parallel_loop3A_261 = arith.constant 16 : index
      %parallel_loop3A_262 = tpu.vector_load %arg7[%parallel_loop3A_260, %parallel_loop3A_261] {strides = array<i32>} : memref<256x128xf32, #tpu.memory_space<vmem>>, vector<1x16xf32>,
      %parallel_loop3A_263 = vector.shape_cast %parallel_loop3A_262 : vector<1x16xf32> to vector<16xf32>
      %parallel_loop3A_264 = vector.shape_cast %parallel_loop3A_257 : vector<16xf32> to vector<1x16xf32>
      tpu.vector_store %arg7[%parallel_loop3A_260, %parallel_loop3A_261], %parallel_loop3A_264 {strides = array<i32>} : memref<256x128xf32, #tpu.memory_space<vmem>>, vector<1x16xf32>,
      %parallel_loop3A_265 = arith.constant 128 : i32
      %parallel_loop3A_266 = arith.addi %parallel_loop3A_265, %parallel_loop3A_228 : i32
      %parallel_loop3A_267 = arith.index_cast %parallel_loop3A_266 : i32 to index
      %parallel_loop3A_268 = arith.constant 32 : index
      %parallel_loop3A_269 = tpu.vector_load %arg7[%parallel_loop3A_267, %parallel_loop3A_268] {strides = array<i32>} : memref<256x128xf32, #tpu.memory_space<vmem>>, vector<1x16xf32>,
      %parallel_loop3A_270 = vector.shape_cast %parallel_loop3A_269 : vector<1x16xf32> to vector<16xf32>
      %parallel_loop3A_271 = arith.index_cast %parallel_loop3A_228 : i32 to index
      %parallel_loop3A_272 = arith.constant 32 : index
      %parallel_loop3A_273 = tpu.vector_load %arg8[%parallel_loop3A_271, %parallel_loop3A_272] {strides = array<i32>} : memref<64x128xf32, #tpu.memory_space<vmem>>, vector<1x16xf32>,
      %parallel_loop3A_274 = vector.shape_cast %parallel_loop3A_273 : vector<1x16xf32> to vector<16xf32>
      %parallel_loop3A_275 = arith.addf %parallel_loop3A_270, %parallel_loop3A_274 : vector<16xf32>
      %parallel_loop3A_276 = arith.constant 128 : i32
      %parallel_loop3A_277 = arith.addi %parallel_loop3A_276, %parallel_loop3A_228 : i32
      %parallel_loop3A_278 = arith.index_cast %parallel_loop3A_277 : i32 to index
      %parallel_loop3A_279 = arith.constant 32 : index
      %parallel_loop3A_280 = tpu.vector_load %arg7[%parallel_loop3A_278, %parallel_loop3A_279] {strides = array<i32>} : memref<256x128xf32, #tpu.memory_space<vmem>>, vector<1x16xf32>,
      %parallel_loop3A_281 = vector.shape_cast %parallel_loop3A_280 : vector<1x16xf32> to vector<16xf32>
      %parallel_loop3A_282 = vector.shape_cast %parallel_loop3A_275 : vector<16xf32> to vector<1x16xf32>
      tpu.vector_store %arg7[%parallel_loop3A_278, %parallel_loop3A_279], %parallel_loop3A_282 {strides = array<i32>} : memref<256x128xf32, #tpu.memory_space<vmem>>, vector<1x16xf32>,
      %parallel_loop3A_283 = arith.constant 128 : i32
      %parallel_loop3A_284 = arith.addi %parallel_loop3A_283, %parallel_loop3A_228 : i32
      %parallel_loop3A_285 = arith.index_cast %parallel_loop3A_284 : i32 to index
      %parallel_loop3A_286 = arith.constant 48 : index
      %parallel_loop3A_287 = tpu.vector_load %arg7[%parallel_loop3A_285, %parallel_loop3A_286] {strides = array<i32>} : memref<256x128xf32, #tpu.memory_space<vmem>>, vector<1x16xf32>,
      %parallel_loop3A_288 = vector.shape_cast %parallel_loop3A_287 : vector<1x16xf32> to vector<16xf32>
      %parallel_loop3A_289 = arith.index_cast %parallel_loop3A_228 : i32 to index
      %parallel_loop3A_290 = arith.constant 48 : index
      %parallel_loop3A_291 = tpu.vector_load %arg8[%parallel_loop3A_289, %parallel_loop3A_290] {strides = array<i32>} : memref<64x128xf32, #tpu.memory_space<vmem>>, vector<1x16xf32>,
      %parallel_loop3A_292 = vector.shape_cast %parallel_loop3A_291 : vector<1x16xf32> to vector<16xf32>
      %parallel_loop3A_293 = arith.addf %parallel_loop3A_288, %parallel_loop3A_292 : vector<16xf32>
      %parallel_loop3A_294 = arith.constant 128 : i32
      %parallel_loop3A_295 = arith.addi %parallel_loop3A_294, %parallel_loop3A_228 : i32
      %parallel_loop3A_296 = arith.index_cast %parallel_loop3A_295 : i32 to index
      %parallel_loop3A_297 = arith.constant 48 : index
      %parallel_loop3A_298 = tpu.vector_load %arg7[%parallel_loop3A_296, %parallel_loop3A_297] {strides = array<i32>} : memref<256x128xf32, #tpu.memory_space<vmem>>, vector<1x16xf32>,
      %parallel_loop3A_299 = vector.shape_cast %parallel_loop3A_298 : vector<1x16xf32> to vector<16xf32>
      %parallel_loop3A_300 = vector.shape_cast %parallel_loop3A_293 : vector<16xf32> to vector<1x16xf32>
      tpu.vector_store %arg7[%parallel_loop3A_296, %parallel_loop3A_297], %parallel_loop3A_300 {strides = array<i32>} : memref<256x128xf32, #tpu.memory_space<vmem>>, vector<1x16xf32>,
      %parallel_loop3A_301 = arith.constant 128 : i32
      %parallel_loop3A_302 = arith.addi %parallel_loop3A_301, %parallel_loop3A_228 : i32
      %parallel_loop3A_303 = arith.index_cast %parallel_loop3A_302 : i32 to index
      %parallel_loop3A_304 = arith.constant 64 : index
      %parallel_loop3A_305 = tpu.vector_load %arg7[%parallel_loop3A_303, %parallel_loop3A_304] {strides = array<i32>} : memref<256x128xf32, #tpu.memory_space<vmem>>, vector<1x16xf32>,
      %parallel_loop3A_306 = vector.shape_cast %parallel_loop3A_305 : vector<1x16xf32> to vector<16xf32>
      %parallel_loop3A_307 = arith.index_cast %parallel_loop3A_228 : i32 to index
      %parallel_loop3A_308 = arith.constant 64 : index
      %parallel_loop3A_309 = tpu.vector_load %arg8[%parallel_loop3A_307, %parallel_loop3A_308] {strides = array<i32>} : memref<64x128xf32, #tpu.memory_space<vmem>>, vector<1x16xf32>,
      %parallel_loop3A_310 = vector.shape_cast %parallel_loop3A_309 : vector<1x16xf32> to vector<16xf32>
      %parallel_loop3A_311 = arith.addf %parallel_loop3A_306, %parallel_loop3A_310 : vector<16xf32>
      %parallel_loop3A_312 = arith.constant 128 : i32
      %parallel_loop3A_313 = arith.addi %parallel_loop3A_312, %parallel_loop3A_228 : i32
      %parallel_loop3A_314 = arith.index_cast %parallel_loop3A_313 : i32 to index
      %parallel_loop3A_315 = arith.constant 64 : index
      %parallel_loop3A_316 = tpu.vector_load %arg7[%parallel_loop3A_314, %parallel_loop3A_315] {strides = array<i32>} : memref<256x128xf32, #tpu.memory_space<vmem>>, vector<1x16xf32>,
      %parallel_loop3A_317 = vector.shape_cast %parallel_loop3A_316 : vector<1x16xf32> to vector<16xf32>
      %parallel_loop3A_318 = vector.shape_cast %parallel_loop3A_311 : vector<16xf32> to vector<1x16xf32>
      tpu.vector_store %arg7[%parallel_loop3A_314, %parallel_loop3A_315], %parallel_loop3A_318 {strides = array<i32>} : memref<256x128xf32, #tpu.memory_space<vmem>>, vector<1x16xf32>,
      %parallel_loop3A_319 = arith.constant 128 : i32
      %parallel_loop3A_320 = arith.addi %parallel_loop3A_319, %parallel_loop3A_228 : i32
      %parallel_loop3A_321 = arith.index_cast %parallel_loop3A_320 : i32 to index
      %parallel_loop3A_322 = arith.constant 80 : index
      %parallel_loop3A_323 = tpu.vector_load %arg7[%parallel_loop3A_321, %parallel_loop3A_322] {strides = array<i32>} : memref<256x128xf32, #tpu.memory_space<vmem>>, vector<1x16xf32>,
      %parallel_loop3A_324 = vector.shape_cast %parallel_loop3A_323 : vector<1x16xf32> to vector<16xf32>
      %parallel_loop3A_325 = arith.index_cast %parallel_loop3A_228 : i32 to index
      %parallel_loop3A_326 = arith.constant 80 : index
      %parallel_loop3A_327 = tpu.vector_load %arg8[%parallel_loop3A_325, %parallel_loop3A_326] {strides = array<i32>} : memref<64x128xf32, #tpu.memory_space<vmem>>, vector<1x16xf32>,
      %parallel_loop3A_328 = vector.shape_cast %parallel_loop3A_327 : vector<1x16xf32> to vector<16xf32>
      %parallel_loop3A_329 = arith.addf %parallel_loop3A_324, %parallel_loop3A_328 : vector<16xf32>
      %parallel_loop3A_330 = arith.constant 128 : i32
      %parallel_loop3A_331 = arith.addi %parallel_loop3A_330, %parallel_loop3A_228 : i32
      %parallel_loop3A_332 = arith.index_cast %parallel_loop3A_331 : i32 to index
      %parallel_loop3A_333 = arith.constant 80 : index
      %parallel_loop3A_334 = tpu.vector_load %arg7[%parallel_loop3A_332, %parallel_loop3A_333] {strides = array<i32>} : memref<256x128xf32, #tpu.memory_space<vmem>>, vector<1x16xf32>,
      %parallel_loop3A_335 = vector.shape_cast %parallel_loop3A_334 : vector<1x16xf32> to vector<16xf32>
      %parallel_loop3A_336 = vector.shape_cast %parallel_loop3A_329 : vector<16xf32> to vector<1x16xf32>
      tpu.vector_store %arg7[%parallel_loop3A_332, %parallel_loop3A_333], %parallel_loop3A_336 {strides = array<i32>} : memref<256x128xf32, #tpu.memory_space<vmem>>, vector<1x16xf32>,
      %parallel_loop3A_337 = arith.constant 128 : i32
      %parallel_loop3A_338 = arith.addi %parallel_loop3A_337, %parallel_loop3A_228 : i32
      %parallel_loop3A_339 = arith.index_cast %parallel_loop3A_338 : i32 to index
      %parallel_loop3A_340 = arith.constant 96 : index
      %parallel_loop3A_341 = tpu.vector_load %arg7[%parallel_loop3A_339, %parallel_loop3A_340] {strides = array<i32>} : memref<256x128xf32, #tpu.memory_space<vmem>>, vector<1x16xf32>,
      %parallel_loop3A_342 = vector.shape_cast %parallel_loop3A_341 : vector<1x16xf32> to vector<16xf32>
      %parallel_loop3A_343 = arith.index_cast %parallel_loop3A_228 : i32 to index
      %parallel_loop3A_344 = arith.constant 96 : index
      %parallel_loop3A_345 = tpu.vector_load %arg8[%parallel_loop3A_343, %parallel_loop3A_344] {strides = array<i32>} : memref<64x128xf32, #tpu.memory_space<vmem>>, vector<1x16xf32>,
      %parallel_loop3A_346 = vector.shape_cast %parallel_loop3A_345 : vector<1x16xf32> to vector<16xf32>
      %parallel_loop3A_347 = arith.addf %parallel_loop3A_342, %parallel_loop3A_346 : vector<16xf32>
      %parallel_loop3A_348 = arith.constant 128 : i32
      %parallel_loop3A_349 = arith.addi %parallel_loop3A_348, %parallel_loop3A_228 : i32
      %parallel_loop3A_350 = arith.index_cast %parallel_loop3A_349 : i32 to index
      %parallel_loop3A_351 = arith.constant 96 : index
      %parallel_loop3A_352 = tpu.vector_load %arg7[%parallel_loop3A_350, %parallel_loop3A_351] {strides = array<i32>} : memref<256x128xf32, #tpu.memory_space<vmem>>, vector<1x16xf32>,
      %parallel_loop3A_353 = vector.shape_cast %parallel_loop3A_352 : vector<1x16xf32> to vector<16xf32>
      %parallel_loop3A_354 = vector.shape_cast %parallel_loop3A_347 : vector<16xf32> to vector<1x16xf32>
      tpu.vector_store %arg7[%parallel_loop3A_350, %parallel_loop3A_351], %parallel_loop3A_354 {strides = array<i32>} : memref<256x128xf32, #tpu.memory_space<vmem>>, vector<1x16xf32>,
      %parallel_loop3A_355 = arith.constant 128 : i32
      %parallel_loop3A_356 = arith.addi %parallel_loop3A_355, %parallel_loop3A_228 : i32
      %parallel_loop3A_357 = arith.index_cast %parallel_loop3A_356 : i32 to index
      %parallel_loop3A_358 = arith.constant 112 : index
      %parallel_loop3A_359 = tpu.vector_load %arg7[%parallel_loop3A_357, %parallel_loop3A_358] {strides = array<i32>} : memref<256x128xf32, #tpu.memory_space<vmem>>, vector<1x16xf32>,
      %parallel_loop3A_360 = vector.shape_cast %parallel_loop3A_359 : vector<1x16xf32> to vector<16xf32>
      %parallel_loop3A_361 = arith.index_cast %parallel_loop3A_228 : i32 to index
      %parallel_loop3A_362 = arith.constant 112 : index
      %parallel_loop3A_363 = tpu.vector_load %arg8[%parallel_loop3A_361, %parallel_loop3A_362] {strides = array<i32>} : memref<64x128xf32, #tpu.memory_space<vmem>>, vector<1x16xf32>,
      %parallel_loop3A_364 = vector.shape_cast %parallel_loop3A_363 : vector<1x16xf32> to vector<16xf32>
      %parallel_loop3A_365 = arith.addf %parallel_loop3A_360, %parallel_loop3A_364 : vector<16xf32>
      %parallel_loop3A_366 = arith.constant 128 : i32
      %parallel_loop3A_367 = arith.addi %parallel_loop3A_366, %parallel_loop3A_228 : i32
      %parallel_loop3A_368 = arith.index_cast %parallel_loop3A_367 : i32 to index
      %parallel_loop3A_369 = arith.constant 112 : index
      %parallel_loop3A_370 = tpu.vector_load %arg7[%parallel_loop3A_368, %parallel_loop3A_369] {strides = array<i32>} : memref<256x128xf32, #tpu.memory_space<vmem>>, vector<1x16xf32>,
      %parallel_loop3A_371 = vector.shape_cast %parallel_loop3A_370 : vector<1x16xf32> to vector<16xf32>
      %parallel_loop3A_372 = vector.shape_cast %parallel_loop3A_365 : vector<16xf32> to vector<1x16xf32>
      tpu.vector_store %arg7[%parallel_loop3A_368, %parallel_loop3A_369], %parallel_loop3A_372 {strides = array<i32>} : memref<256x128xf32, #tpu.memory_space<vmem>>, vector<1x16xf32>,
    } {sc.loop_unroll_factor = 2 : i64, sc.parallel_access}
    %add3A_153 = arith.constant 4096 : i32
    %add3A_154 = arith.addi %add3A_153, %mul3A_2 : i32
    %dma_start3A_155 = arith.constant 128 : i32
    %dma_start3A_156 = arith.constant 0 : i32
    %dma_start3A_157 = tpu.memref_slice %arg7[%dma_start3A_155, %dma_start3A_156] : memref<256x128xf32, #tpu.memory_space<vmem>> -> memref<64x128xf32, #tpu.memory_space<vmem>>
    %dma_start3A_158 = arith.constant 0 : i32
    %dma_start3A_159 = tpu.memref_slice %arg5[%add3A_154, %dma_start3A_158] : memref<8192x128xf32, #tpu.memory_space<hbm>> -> memref<64x128xf32, #tpu.memory_space<hbm>>
    %dma_start3A_160 = arith.constant 0 : i32
    %dma_start3A_161 = tpu.memref_slice %arg5[%add3A_154, %dma_start3A_160] : memref<8192x128xf32, #tpu.memory_space<hbm>> -> memref<64x128xf32, #tpu.memory_space<hbm>>
    %dma_start3A_162 = arith.constant 128 : i32
    %dma_start3A_163 = arith.constant 0 : i32
    %dma_start3A_164 = tpu.memref_slice %arg7[%dma_start3A_162, %dma_start3A_163] : memref<256x128xf32, #tpu.memory_space<vmem>> -> memref<64x128xf32, #tpu.memory_space<vmem>>
    tpu.enqueue_dma source(%dma_start3A_164 : memref<64x128xf32, #tpu.memory_space<vmem>>) target(%dma_start3A_161 : memref<64x128xf32, #tpu.memory_space<hbm>>) target_semaphore(%arg14 : memref<!tpu.dma_semaphore, #tpu.memory_space<semaphore_mem>>)
    %dma_wait3A_165 = arith.constant 192 : i32
    %dma_wait3A_166 = arith.constant 0 : i32
    %dma_wait3A_167 = tpu.memref_slice %arg7[%dma_wait3A_165, %dma_wait3A_166] : memref<256x128xf32, #tpu.memory_space<vmem>> -> memref<64x128xf32, #tpu.memory_space<vmem>>
    %dma_wait3A_168 = arith.constant 192 : i32
    %dma_wait3A_169 = tpu.memref_slice %arg6[%dma_wait3A_168] : memref<256xi32, #tpu.memory_space<vmem>> -> memref<64xi32, #tpu.memory_space<vmem>>
    %dma_wait3A_170 = arith.constant 0 : i32
    %dma_wait3A_171 = arith.constant 0 : i32
    %dma_wait3A_172 = tpu.memref_slice %arg3[%dma_wait3A_170, %dma_wait3A_171] : memref<1000000x128xf32, #tpu.memory_space<hbm>> -> memref<1000000x128xf32, #tpu.memory_space<hbm>>
    tpu.wait_indirect_dma semaphore(%arg13 : memref<!tpu.dma_semaphore, #tpu.memory_space<semaphore_mem>>) src(%dma_wait3A_172 : memref<1000000x128xf32, #tpu.memory_space<hbm>>) dst(%dma_wait3A_167 : memref<64x128xf32, #tpu.memory_space<vmem>>)
    %parallel_loop3A_173 = arith.constant 0 : i32
    %parallel_loop3A_174 = arith.constant 64 : i32
    %parallel_loop3A_175 = arith.constant 1 : i32
    scf.for %parallel_loop3A_228 = %parallel_loop3A_173 to %parallel_loop3A_174 step %parallel_loop3A_175  : i32 {
      %parallel_loop3A_229 = arith.constant 192 : i32
      %parallel_loop3A_230 = arith.addi %parallel_loop3A_229, %parallel_loop3A_228 : i32
      %parallel_loop3A_231 = arith.index_cast %parallel_loop3A_230 : i32 to index
      %parallel_loop3A_232 = arith.constant 0 : index
      %parallel_loop3A_233 = tpu.vector_load %arg7[%parallel_loop3A_231, %parallel_loop3A_232] {strides = array<i32>} : memref<256x128xf32, #tpu.memory_space<vmem>>, vector<1x16xf32>,
      %parallel_loop3A_234 = vector.shape_cast %parallel_loop3A_233 : vector<1x16xf32> to vector<16xf32>
      %parallel_loop3A_235 = arith.index_cast %parallel_loop3A_228 : i32 to index
      %parallel_loop3A_236 = arith.constant 0 : index
      %parallel_loop3A_237 = tpu.vector_load %arg8[%parallel_loop3A_235, %parallel_loop3A_236] {strides = array<i32>} : memref<64x128xf32, #tpu.memory_space<vmem>>, vector<1x16xf32>,
      %parallel_loop3A_238 = vector.shape_cast %parallel_loop3A_237 : vector<1x16xf32> to vector<16xf32>
      %parallel_loop3A_239 = arith.addf %parallel_loop3A_234, %parallel_loop3A_238 : vector<16xf32>
      %parallel_loop3A_240 = arith.constant 192 : i32
      %parallel_loop3A_241 = arith.addi %parallel_loop3A_240, %parallel_loop3A_228 : i32
      %parallel_loop3A_242 = arith.index_cast %parallel_loop3A_241 : i32 to index
      %parallel_loop3A_243 = arith.constant 0 : index
      %parallel_loop3A_244 = tpu.vector_load %arg7[%parallel_loop3A_242, %parallel_loop3A_243] {strides = array<i32>} : memref<256x128xf32, #tpu.memory_space<vmem>>, vector<1x16xf32>,
      %parallel_loop3A_245 = vector.shape_cast %parallel_loop3A_244 : vector<1x16xf32> to vector<16xf32>
      %parallel_loop3A_246 = vector.shape_cast %parallel_loop3A_239 : vector<16xf32> to vector<1x16xf32>
      tpu.vector_store %arg7[%parallel_loop3A_242, %parallel_loop3A_243], %parallel_loop3A_246 {strides = array<i32>} : memref<256x128xf32, #tpu.memory_space<vmem>>, vector<1x16xf32>,
      %parallel_loop3A_247 = arith.constant 192 : i32
      %parallel_loop3A_248 = arith.addi %parallel_loop3A_247, %parallel_loop3A_228 : i32
      %parallel_loop3A_249 = arith.index_cast %parallel_loop3A_248 : i32 to index
      %parallel_loop3A_250 = arith.constant 16 : index
      %parallel_loop3A_251 = tpu.vector_load %arg7[%parallel_loop3A_249, %parallel_loop3A_250] {strides = array<i32>} : memref<256x128xf32, #tpu.memory_space<vmem>>, vector<1x16xf32>,
      %parallel_loop3A_252 = vector.shape_cast %parallel_loop3A_251 : vector<1x16xf32> to vector<16xf32>
      %parallel_loop3A_253 = arith.index_cast %parallel_loop3A_228 : i32 to index
      %parallel_loop3A_254 = arith.constant 16 : index
      %parallel_loop3A_255 = tpu.vector_load %arg8[%parallel_loop3A_253, %parallel_loop3A_254] {strides = array<i32>} : memref<64x128xf32, #tpu.memory_space<vmem>>, vector<1x16xf32>,
      %parallel_loop3A_256 = vector.shape_cast %parallel_loop3A_255 : vector<1x16xf32> to vector<16xf32>
      %parallel_loop3A_257 = arith.addf %parallel_loop3A_252, %parallel_loop3A_256 : vector<16xf32>
      %parallel_loop3A_258 = arith.constant 192 : i32
      %parallel_loop3A_259 = arith.addi %parallel_loop3A_258, %parallel_loop3A_228 : i32
      %parallel_loop3A_260 = arith.index_cast %parallel_loop3A_259 : i32 to index
      %parallel_loop3A_261 = arith.constant 16 : index
      %parallel_loop3A_262 = tpu.vector_load %arg7[%parallel_loop3A_260, %parallel_loop3A_261] {strides = array<i32>} : memref<256x128xf32, #tpu.memory_space<vmem>>, vector<1x16xf32>,
      %parallel_loop3A_263 = vector.shape_cast %parallel_loop3A_262 : vector<1x16xf32> to vector<16xf32>
      %parallel_loop3A_264 = vector.shape_cast %parallel_loop3A_257 : vector<16xf32> to vector<1x16xf32>
      tpu.vector_store %arg7[%parallel_loop3A_260, %parallel_loop3A_261], %parallel_loop3A_264 {strides = array<i32>} : memref<256x128xf32, #tpu.memory_space<vmem>>, vector<1x16xf32>,
      %parallel_loop3A_265 = arith.constant 192 : i32
      %parallel_loop3A_266 = arith.addi %parallel_loop3A_265, %parallel_loop3A_228 : i32
      %parallel_loop3A_267 = arith.index_cast %parallel_loop3A_266 : i32 to index
      %parallel_loop3A_268 = arith.constant 32 : index
      %parallel_loop3A_269 = tpu.vector_load %arg7[%parallel_loop3A_267, %parallel_loop3A_268] {strides = array<i32>} : memref<256x128xf32, #tpu.memory_space<vmem>>, vector<1x16xf32>,
      %parallel_loop3A_270 = vector.shape_cast %parallel_loop3A_269 : vector<1x16xf32> to vector<16xf32>
      %parallel_loop3A_271 = arith.index_cast %parallel_loop3A_228 : i32 to index
      %parallel_loop3A_272 = arith.constant 32 : index
      %parallel_loop3A_273 = tpu.vector_load %arg8[%parallel_loop3A_271, %parallel_loop3A_272] {strides = array<i32>} : memref<64x128xf32, #tpu.memory_space<vmem>>, vector<1x16xf32>,
      %parallel_loop3A_274 = vector.shape_cast %parallel_loop3A_273 : vector<1x16xf32> to vector<16xf32>
      %parallel_loop3A_275 = arith.addf %parallel_loop3A_270, %parallel_loop3A_274 : vector<16xf32>
      %parallel_loop3A_276 = arith.constant 192 : i32
      %parallel_loop3A_277 = arith.addi %parallel_loop3A_276, %parallel_loop3A_228 : i32
      %parallel_loop3A_278 = arith.index_cast %parallel_loop3A_277 : i32 to index
      %parallel_loop3A_279 = arith.constant 32 : index
      %parallel_loop3A_280 = tpu.vector_load %arg7[%parallel_loop3A_278, %parallel_loop3A_279] {strides = array<i32>} : memref<256x128xf32, #tpu.memory_space<vmem>>, vector<1x16xf32>,
      %parallel_loop3A_281 = vector.shape_cast %parallel_loop3A_280 : vector<1x16xf32> to vector<16xf32>
      %parallel_loop3A_282 = vector.shape_cast %parallel_loop3A_275 : vector<16xf32> to vector<1x16xf32>
      tpu.vector_store %arg7[%parallel_loop3A_278, %parallel_loop3A_279], %parallel_loop3A_282 {strides = array<i32>} : memref<256x128xf32, #tpu.memory_space<vmem>>, vector<1x16xf32>,
      %parallel_loop3A_283 = arith.constant 192 : i32
      %parallel_loop3A_284 = arith.addi %parallel_loop3A_283, %parallel_loop3A_228 : i32
      %parallel_loop3A_285 = arith.index_cast %parallel_loop3A_284 : i32 to index
      %parallel_loop3A_286 = arith.constant 48 : index
      %parallel_loop3A_287 = tpu.vector_load %arg7[%parallel_loop3A_285, %parallel_loop3A_286] {strides = array<i32>} : memref<256x128xf32, #tpu.memory_space<vmem>>, vector<1x16xf32>,
      %parallel_loop3A_288 = vector.shape_cast %parallel_loop3A_287 : vector<1x16xf32> to vector<16xf32>
      %parallel_loop3A_289 = arith.index_cast %parallel_loop3A_228 : i32 to index
      %parallel_loop3A_290 = arith.constant 48 : index
      %parallel_loop3A_291 = tpu.vector_load %arg8[%parallel_loop3A_289, %parallel_loop3A_290] {strides = array<i32>} : memref<64x128xf32, #tpu.memory_space<vmem>>, vector<1x16xf32>,
      %parallel_loop3A_292 = vector.shape_cast %parallel_loop3A_291 : vector<1x16xf32> to vector<16xf32>
      %parallel_loop3A_293 = arith.addf %parallel_loop3A_288, %parallel_loop3A_292 : vector<16xf32>
      %parallel_loop3A_294 = arith.constant 192 : i32
      %parallel_loop3A_295 = arith.addi %parallel_loop3A_294, %parallel_loop3A_228 : i32
      %parallel_loop3A_296 = arith.index_cast %parallel_loop3A_295 : i32 to index
      %parallel_loop3A_297 = arith.constant 48 : index
      %parallel_loop3A_298 = tpu.vector_load %arg7[%parallel_loop3A_296, %parallel_loop3A_297] {strides = array<i32>} : memref<256x128xf32, #tpu.memory_space<vmem>>, vector<1x16xf32>,
      %parallel_loop3A_299 = vector.shape_cast %parallel_loop3A_298 : vector<1x16xf32> to vector<16xf32>
      %parallel_loop3A_300 = vector.shape_cast %parallel_loop3A_293 : vector<16xf32> to vector<1x16xf32>
      tpu.vector_store %arg7[%parallel_loop3A_296, %parallel_loop3A_297], %parallel_loop3A_300 {strides = array<i32>} : memref<256x128xf32, #tpu.memory_space<vmem>>, vector<1x16xf32>,
      %parallel_loop3A_301 = arith.constant 192 : i32
      %parallel_loop3A_302 = arith.addi %parallel_loop3A_301, %parallel_loop3A_228 : i32
      %parallel_loop3A_303 = arith.index_cast %parallel_loop3A_302 : i32 to index
      %parallel_loop3A_304 = arith.constant 64 : index
      %parallel_loop3A_305 = tpu.vector_load %arg7[%parallel_loop3A_303, %parallel_loop3A_304] {strides = array<i32>} : memref<256x128xf32, #tpu.memory_space<vmem>>, vector<1x16xf32>,
      %parallel_loop3A_306 = vector.shape_cast %parallel_loop3A_305 : vector<1x16xf32> to vector<16xf32>
      %parallel_loop3A_307 = arith.index_cast %parallel_loop3A_228 : i32 to index
      %parallel_loop3A_308 = arith.constant 64 : index
      %parallel_loop3A_309 = tpu.vector_load %arg8[%parallel_loop3A_307, %parallel_loop3A_308] {strides = array<i32>} : memref<64x128xf32, #tpu.memory_space<vmem>>, vector<1x16xf32>,
      %parallel_loop3A_310 = vector.shape_cast %parallel_loop3A_309 : vector<1x16xf32> to vector<16xf32>
      %parallel_loop3A_311 = arith.addf %parallel_loop3A_306, %parallel_loop3A_310 : vector<16xf32>
      %parallel_loop3A_312 = arith.constant 192 : i32
      %parallel_loop3A_313 = arith.addi %parallel_loop3A_312, %parallel_loop3A_228 : i32
      %parallel_loop3A_314 = arith.index_cast %parallel_loop3A_313 : i32 to index
      %parallel_loop3A_315 = arith.constant 64 : index
      %parallel_loop3A_316 = tpu.vector_load %arg7[%parallel_loop3A_314, %parallel_loop3A_315] {strides = array<i32>} : memref<256x128xf32, #tpu.memory_space<vmem>>, vector<1x16xf32>,
      %parallel_loop3A_317 = vector.shape_cast %parallel_loop3A_316 : vector<1x16xf32> to vector<16xf32>
      %parallel_loop3A_318 = vector.shape_cast %parallel_loop3A_311 : vector<16xf32> to vector<1x16xf32>
      tpu.vector_store %arg7[%parallel_loop3A_314, %parallel_loop3A_315], %parallel_loop3A_318 {strides = array<i32>} : memref<256x128xf32, #tpu.memory_space<vmem>>, vector<1x16xf32>,
      %parallel_loop3A_319 = arith.constant 192 : i32
      %parallel_loop3A_320 = arith.addi %parallel_loop3A_319, %parallel_loop3A_228 : i32
      %parallel_loop3A_321 = arith.index_cast %parallel_loop3A_320 : i32 to index
      %parallel_loop3A_322 = arith.constant 80 : index
      %parallel_loop3A_323 = tpu.vector_load %arg7[%parallel_loop3A_321, %parallel_loop3A_322] {strides = array<i32>} : memref<256x128xf32, #tpu.memory_space<vmem>>, vector<1x16xf32>,
      %parallel_loop3A_324 = vector.shape_cast %parallel_loop3A_323 : vector<1x16xf32> to vector<16xf32>
      %parallel_loop3A_325 = arith.index_cast %parallel_loop3A_228 : i32 to index
      %parallel_loop3A_326 = arith.constant 80 : index
      %parallel_loop3A_327 = tpu.vector_load %arg8[%parallel_loop3A_325, %parallel_loop3A_326] {strides = array<i32>} : memref<64x128xf32, #tpu.memory_space<vmem>>, vector<1x16xf32>,
      %parallel_loop3A_328 = vector.shape_cast %parallel_loop3A_327 : vector<1x16xf32> to vector<16xf32>
      %parallel_loop3A_329 = arith.addf %parallel_loop3A_324, %parallel_loop3A_328 : vector<16xf32>
      %parallel_loop3A_330 = arith.constant 192 : i32
      %parallel_loop3A_331 = arith.addi %parallel_loop3A_330, %parallel_loop3A_228 : i32
      %parallel_loop3A_332 = arith.index_cast %parallel_loop3A_331 : i32 to index
      %parallel_loop3A_333 = arith.constant 80 : index
      %parallel_loop3A_334 = tpu.vector_load %arg7[%parallel_loop3A_332, %parallel_loop3A_333] {strides = array<i32>} : memref<256x128xf32, #tpu.memory_space<vmem>>, vector<1x16xf32>,
      %parallel_loop3A_335 = vector.shape_cast %parallel_loop3A_334 : vector<1x16xf32> to vector<16xf32>
      %parallel_loop3A_336 = vector.shape_cast %parallel_loop3A_329 : vector<16xf32> to vector<1x16xf32>
      tpu.vector_store %arg7[%parallel_loop3A_332, %parallel_loop3A_333], %parallel_loop3A_336 {strides = array<i32>} : memref<256x128xf32, #tpu.memory_space<vmem>>, vector<1x16xf32>,
      %parallel_loop3A_337 = arith.constant 192 : i32
      %parallel_loop3A_338 = arith.addi %parallel_loop3A_337, %parallel_loop3A_228 : i32
      %parallel_loop3A_339 = arith.index_cast %parallel_loop3A_338 : i32 to index
      %parallel_loop3A_340 = arith.constant 96 : index
      %parallel_loop3A_341 = tpu.vector_load %arg7[%parallel_loop3A_339, %parallel_loop3A_340] {strides = array<i32>} : memref<256x128xf32, #tpu.memory_space<vmem>>, vector<1x16xf32>,
      %parallel_loop3A_342 = vector.shape_cast %parallel_loop3A_341 : vector<1x16xf32> to vector<16xf32>
      %parallel_loop3A_343 = arith.index_cast %parallel_loop3A_228 : i32 to index
      %parallel_loop3A_344 = arith.constant 96 : index
      %parallel_loop3A_345 = tpu.vector_load %arg8[%parallel_loop3A_343, %parallel_loop3A_344] {strides = array<i32>} : memref<64x128xf32, #tpu.memory_space<vmem>>, vector<1x16xf32>,
      %parallel_loop3A_346 = vector.shape_cast %parallel_loop3A_345 : vector<1x16xf32> to vector<16xf32>
      %parallel_loop3A_347 = arith.addf %parallel_loop3A_342, %parallel_loop3A_346 : vector<16xf32>
      %parallel_loop3A_348 = arith.constant 192 : i32
      %parallel_loop3A_349 = arith.addi %parallel_loop3A_348, %parallel_loop3A_228 : i32
      %parallel_loop3A_350 = arith.index_cast %parallel_loop3A_349 : i32 to index
      %parallel_loop3A_351 = arith.constant 96 : index
      %parallel_loop3A_352 = tpu.vector_load %arg7[%parallel_loop3A_350, %parallel_loop3A_351] {strides = array<i32>} : memref<256x128xf32, #tpu.memory_space<vmem>>, vector<1x16xf32>,
      %parallel_loop3A_353 = vector.shape_cast %parallel_loop3A_352 : vector<1x16xf32> to vector<16xf32>
      %parallel_loop3A_354 = vector.shape_cast %parallel_loop3A_347 : vector<16xf32> to vector<1x16xf32>
      tpu.vector_store %arg7[%parallel_loop3A_350, %parallel_loop3A_351], %parallel_loop3A_354 {strides = array<i32>} : memref<256x128xf32, #tpu.memory_space<vmem>>, vector<1x16xf32>,
      %parallel_loop3A_355 = arith.constant 192 : i32
      %parallel_loop3A_356 = arith.addi %parallel_loop3A_355, %parallel_loop3A_228 : i32
      %parallel_loop3A_357 = arith.index_cast %parallel_loop3A_356 : i32 to index
      %parallel_loop3A_358 = arith.constant 112 : index
      %parallel_loop3A_359 = tpu.vector_load %arg7[%parallel_loop3A_357, %parallel_loop3A_358] {strides = array<i32>} : memref<256x128xf32, #tpu.memory_space<vmem>>, vector<1x16xf32>,
      %parallel_loop3A_360 = vector.shape_cast %parallel_loop3A_359 : vector<1x16xf32> to vector<16xf32>
      %parallel_loop3A_361 = arith.index_cast %parallel_loop3A_228 : i32 to index
      %parallel_loop3A_362 = arith.constant 112 : index
      %parallel_loop3A_363 = tpu.vector_load %arg8[%parallel_loop3A_361, %parallel_loop3A_362] {strides = array<i32>} : memref<64x128xf32, #tpu.memory_space<vmem>>, vector<1x16xf32>,
      %parallel_loop3A_364 = vector.shape_cast %parallel_loop3A_363 : vector<1x16xf32> to vector<16xf32>
      %parallel_loop3A_365 = arith.addf %parallel_loop3A_360, %parallel_loop3A_364 : vector<16xf32>
      %parallel_loop3A_366 = arith.constant 192 : i32
      %parallel_loop3A_367 = arith.addi %parallel_loop3A_366, %parallel_loop3A_228 : i32
      %parallel_loop3A_368 = arith.index_cast %parallel_loop3A_367 : i32 to index
      %parallel_loop3A_369 = arith.constant 112 : index
      %parallel_loop3A_370 = tpu.vector_load %arg7[%parallel_loop3A_368, %parallel_loop3A_369] {strides = array<i32>} : memref<256x128xf32, #tpu.memory_space<vmem>>, vector<1x16xf32>,
      %parallel_loop3A_371 = vector.shape_cast %parallel_loop3A_370 : vector<1x16xf32> to vector<16xf32>
      %parallel_loop3A_372 = vector.shape_cast %parallel_loop3A_365 : vector<16xf32> to vector<1x16xf32>
      tpu.vector_store %arg7[%parallel_loop3A_368, %parallel_loop3A_369], %parallel_loop3A_372 {strides = array<i32>} : memref<256x128xf32, #tpu.memory_space<vmem>>, vector<1x16xf32>,
    } {sc.loop_unroll_factor = 2 : i64, sc.parallel_access}
    %add3A_176 = arith.constant 6144 : i32
    %add3A_177 = arith.addi %add3A_176, %mul3A_2 : i32
    %dma_start3A_178 = arith.constant 192 : i32
    %dma_start3A_179 = arith.constant 0 : i32
    %dma_start3A_180 = tpu.memref_slice %arg7[%dma_start3A_178, %dma_start3A_179] : memref<256x128xf32, #tpu.memory_space<vmem>> -> memref<64x128xf32, #tpu.memory_space<vmem>>
    %dma_start3A_181 = arith.constant 0 : i32
    %dma_start3A_182 = tpu.memref_slice %arg5[%add3A_177, %dma_start3A_181] : memref<8192x128xf32, #tpu.memory_space<hbm>> -> memref<64x128xf32, #tpu.memory_space<hbm>>
    %dma_start3A_183 = arith.constant 0 : i32
    %dma_start3A_184 = tpu.memref_slice %arg5[%add3A_177, %dma_start3A_183] : memref<8192x128xf32, #tpu.memory_space<hbm>> -> memref<64x128xf32, #tpu.memory_space<hbm>>
    %dma_start3A_185 = arith.constant 192 : i32
    %dma_start3A_186 = arith.constant 0 : i32
    %dma_start3A_187 = tpu.memref_slice %arg7[%dma_start3A_185, %dma_start3A_186] : memref<256x128xf32, #tpu.memory_space<vmem>> -> memref<64x128xf32, #tpu.memory_space<vmem>>
    tpu.enqueue_dma source(%dma_start3A_187 : memref<64x128xf32, #tpu.memory_space<vmem>>) target(%dma_start3A_184 : memref<64x128xf32, #tpu.memory_space<hbm>>) target_semaphore(%arg14 : memref<!tpu.dma_semaphore, #tpu.memory_space<semaphore_mem>>)
    %dma_wait3A_188 = arith.constant 0 : i32
    %dma_wait3A_189 = arith.constant 0 : i32
    %dma_wait3A_190 = tpu.memref_slice %arg7[%dma_wait3A_188, %dma_wait3A_189] : memref<256x128xf32, #tpu.memory_space<vmem>> -> memref<64x128xf32, #tpu.memory_space<vmem>>
    %dma_wait3A_191 = arith.constant 0 : i32
    %dma_wait3A_192 = tpu.memref_slice %arg5[%add3A_108, %dma_wait3A_191] : memref<8192x128xf32, #tpu.memory_space<hbm>> -> memref<64x128xf32, #tpu.memory_space<hbm>>
    %dma_wait3A_193 = arith.constant 0 : i32
    %dma_wait3A_194 = tpu.memref_slice %arg5[%add3A_108, %dma_wait3A_193] : memref<8192x128xf32, #tpu.memory_space<hbm>> -> memref<64x128xf32, #tpu.memory_space<hbm>>
    %dma_wait3A_195 = arith.constant 0 : i32
    %dma_wait3A_196 = arith.constant 0 : i32
    %dma_wait3A_197 = tpu.memref_slice %arg7[%dma_wait3A_195, %dma_wait3A_196] : memref<256x128xf32, #tpu.memory_space<vmem>> -> memref<64x128xf32, #tpu.memory_space<vmem>>
    tpu.wait_dma2 semaphore(%arg14 : memref<!tpu.dma_semaphore, #tpu.memory_space<semaphore_mem>>) src(%dma_wait3A_197 : memref<64x128xf32, #tpu.memory_space<vmem>>) dst(%dma_wait3A_194 : memref<64x128xf32, #tpu.memory_space<hbm>>)
    %dma_wait3A_198 = arith.constant 64 : i32
    %dma_wait3A_199 = arith.constant 0 : i32
    %dma_wait3A_200 = tpu.memref_slice %arg7[%dma_wait3A_198, %dma_wait3A_199] : memref<256x128xf32, #tpu.memory_space<vmem>> -> memref<64x128xf32, #tpu.memory_space<vmem>>
    %dma_wait3A_201 = arith.constant 0 : i32
    %dma_wait3A_202 = tpu.memref_slice %arg5[%add3A_131, %dma_wait3A_201] : memref<8192x128xf32, #tpu.memory_space<hbm>> -> memref<64x128xf32, #tpu.memory_space<hbm>>
    %dma_wait3A_203 = arith.constant 0 : i32
    %dma_wait3A_204 = tpu.memref_slice %arg5[%add3A_131, %dma_wait3A_203] : memref<8192x128xf32, #tpu.memory_space<hbm>> -> memref<64x128xf32, #tpu.memory_space<hbm>>
    %dma_wait3A_205 = arith.constant 64 : i32
    %dma_wait3A_206 = arith.constant 0 : i32
    %dma_wait3A_207 = tpu.memref_slice %arg7[%dma_wait3A_205, %dma_wait3A_206] : memref<256x128xf32, #tpu.memory_space<vmem>> -> memref<64x128xf32, #tpu.memory_space<vmem>>
    tpu.wait_dma2 semaphore(%arg14 : memref<!tpu.dma_semaphore, #tpu.memory_space<semaphore_mem>>) src(%dma_wait3A_207 : memref<64x128xf32, #tpu.memory_space<vmem>>) dst(%dma_wait3A_204 : memref<64x128xf32, #tpu.memory_space<hbm>>)
    %dma_wait3A_208 = arith.constant 128 : i32
    %dma_wait3A_209 = arith.constant 0 : i32
    %dma_wait3A_210 = tpu.memref_slice %arg7[%dma_wait3A_208, %dma_wait3A_209] : memref<256x128xf32, #tpu.memory_space<vmem>> -> memref<64x128xf32, #tpu.memory_space<vmem>>
    %dma_wait3A_211 = arith.constant 0 : i32
    %dma_wait3A_212 = tpu.memref_slice %arg5[%add3A_154, %dma_wait3A_211] : memref<8192x128xf32, #tpu.memory_space<hbm>> -> memref<64x128xf32, #tpu.memory_space<hbm>>
    %dma_wait3A_213 = arith.constant 0 : i32
    %dma_wait3A_214 = tpu.memref_slice %arg5[%add3A_154, %dma_wait3A_213] : memref<8192x128xf32, #tpu.memory_space<hbm>> -> memref<64x128xf32, #tpu.memory_space<hbm>>
    %dma_wait3A_215 = arith.constant 128 : i32
    %dma_wait3A_216 = arith.constant 0 : i32
    %dma_wait3A_217 = tpu.memref_slice %arg7[%dma_wait3A_215, %dma_wait3A_216] : memref<256x128xf32, #tpu.memory_space<vmem>> -> memref<64x128xf32, #tpu.memory_space<vmem>>
    tpu.wait_dma2 semaphore(%arg14 : memref<!tpu.dma_semaphore, #tpu.memory_space<semaphore_mem>>) src(%dma_wait3A_217 : memref<64x128xf32, #tpu.memory_space<vmem>>) dst(%dma_wait3A_214 : memref<64x128xf32, #tpu.memory_space<hbm>>)
    %dma_wait3A_218 = arith.constant 192 : i32
    %dma_wait3A_219 = arith.constant 0 : i32
    %dma_wait3A_220 = tpu.memref_slice %arg7[%dma_wait3A_218, %dma_wait3A_219] : memref<256x128xf32, #tpu.memory_space<vmem>> -> memref<64x128xf32, #tpu.memory_space<vmem>>
    %dma_wait3A_221 = arith.constant 0 : i32
    %dma_wait3A_222 = tpu.memref_slice %arg5[%add3A_177, %dma_wait3A_221] : memref<8192x128xf32, #tpu.memory_space<hbm>> -> memref<64x128xf32, #tpu.memory_space<hbm>>
    %dma_wait3A_223 = arith.constant 0 : i32
    %dma_wait3A_224 = tpu.memref_slice %arg5[%add3A_177, %dma_wait3A_223] : memref<8192x128xf32, #tpu.memory_space<hbm>> -> memref<64x128xf32, #tpu.memory_space<hbm>>
    %dma_wait3A_225 = arith.constant 192 : i32
    %dma_wait3A_226 = arith.constant 0 : i32
    %dma_wait3A_227 = tpu.memref_slice %arg7[%dma_wait3A_225, %dma_wait3A_226] : memref<256x128xf32, #tpu.memory_space<vmem>> -> memref<64x128xf32, #tpu.memory_space<vmem>>
    tpu.wait_dma2 semaphore(%arg14 : memref<!tpu.dma_semaphore, #tpu.memory_space<semaphore_mem>>) src(%dma_wait3A_227 : memref<64x128xf32, #tpu.memory_space<vmem>>) dst(%dma_wait3A_224 : memref<64x128xf32, #tpu.memory_space<hbm>>)
    return
  }
}

</mosaic_0001>

<sc_bundles>
// kernel: kernel.3.cloned.1.call-start
scs
__scs_entry_jumppad:
0x0: {  	(pc) =	sbr.rel $0x88, $3  }
0x1: {  	(tag) =	ssettag $0x0;
	lr =	simm.s32 $0x1  }
0x2: {  	[smem:$0x3F9E] =	sst lr;
	_ =	strace $0xD0000000  }
0x3: {  	_ = 	snop  }
0x4: {  	_ = 	snop  }
0x5: {  	_ = 	snop  }
0x6: {  	_ = 	snop  }
0x7: {  	_ = 	snop  }
__scs_overlays_trampoline_lowered:
0x8: {  	[smem:$0x3FAD] =	sst s0  }
0x9: {  	[smem:$0x3FAE] =	sst s1  }
0xa: {  	[smem:$0x3FAF] =	sst s2  }
0xb: {  	[smem:$0x3FB0] =	sst s3  }
0xc: {  	[smem:$0x3FB1] =	sst s4  }
0xd: {  	[smem:$0x3FB2] =	sst s5  }
0xe: {  	[smem:$0x3FB3] =	sst s6  }
0xf: {  	[smem:$0x3FB4] =	sst s7  }
0x10: {  	[smem:$0x3FB5] =	sst s8  }
0x11: {  	[smem:$0x3FB6] =	sst s9;
	s0 =	simm.s32 @!p0 $0x0  }
0x12: {  	s1 =	sld [smem:$0x3F9C];
	s0 =	simm.s32 @p0 $0x1  }
0x13: {  	[smem:$0x3FB7] =	sst s0;
	s0 =	simm.s32 @!p1 $0x0  }
0x14: {  	s2 =	sld [smem:$0x3F9B];
	s0 =	simm.s32 @p1 $0x1  }
0x15: {  	[smem:$0x3FB8] =	sst s0;
	s0 =	simm.s32 @!p2 $0x0  }
0x16: {  	s3 =	sld [smem:$0x3FDB];
	s0 =	simm.s32 @p2 $0x1  }
0x17: {  	s4 =	simm.s32 $0x1BF5;
	[smem:$0x3FBA] =	sst s0  }
0x18: {  	s0 =	sld [smem:$0x3F9D];
	_ =	swait.ge [sflag:s4], $0x0  }
0x19: {  	s7 =	sld [smem:$0x3F9E]  }
0x1a: {  	s8 =	sadd.s32 $0xFFFFE003, lr  }
0x1b: {  	s9 =	sadd.s32 $0xFFFFFEF7, lr;
	s5 =	simm.s32 $0xFFFFFFFF;
	p2 =	slt.u32 s8, $0xFFFFF086  }
0x1c: {  	p1 =	slt.u32 s9, $0xF7A;
	s5 =	simm.s32 @!p2 $0x0  }
0x1d: {  	s5 =	simm.s32 @p1 $0x1;
	p0 =	seq.s32 s7, s2  }
0x1e: {  	s7 =	smul.u32 @!p0 $0xF7A, s2;
	p2 =	seq.s32 @!p0 s5, $0x0  }
0x1f: {  	s9 =	smul.u32 $0xF7A, s1;
	s8 =	simm.s32 @!p0 $0x1BF5;
	p2 =	por !p2, p0  }
0x20: {  	[sflag:s8] =	ssyncset.s32 @!p0 $0xFFFFF086;
	s6 =	sadd.s32 @!p0 s3, s7;
	s7 =	simm.s32 @!p0 $0x108  }
0x21: {  	s3 =	sadd.s32 s3, s9;
	s6 =	sadd.s32 @!p0 $0x88, s6;
	s7 =	simm.s32 @p2 $0x1082  }
0x22: {  	[simem:s7], [sflag:s8] =	dma.local @!p0 [hbm:s6], $0xF7A  }
0x23: {  	s9 =	sor.u32 $0xD0000000, s2;
	s6 =	simm.s32 $0x108;
	_ =	swait.ge @!p0 [sflag:s8], $0x0  }
0x24: {  	s3 =	sadd.s32 $0x88, s3;
	s6 =	simm.s32 @!p1 $0x1082;
	[sflag:s4] =	ssyncset.s32 $0xFFFFF086  }
0x25: {  	[simem:s6], [sflag:s4] =	dma.local [hbm:s3], $0xF7A  }
0x26: {  	[smem:$0x3F9E] =	sst s1;
	(tag) =	ssettag s2;
	_ =	strace s9  }
0x27: {  	s1 =	sld [smem:$0x3FAE]  }
0x28: {  	s2 =	sld [smem:$0x3FAF]  }
0x29: {  	s4 =	sld [smem:$0x3FB1]  }
0x2a: {  	p0 =	seq.s32 s5, $0x0;
	s5 =	sld [smem:$0x3FB2]  }
0x2b: {  	s6 =	sld [smem:$0x3FB3]  }
0x2c: {  	s7 =	sld [smem:$0x3FB4]  }
0x2d: {  	s3 =	simm.s32 $0x108;
	s8 =	sld [smem:$0x3FB5]  }
0x2e: {  	s3 =	simm.s32 @!p0 $0x1082;
	s9 =	sld [smem:$0x3FB6]  }
0x2f: {  	lr =	sadd.s32 s0, s3;
	s0 =	sld [smem:$0x3FAD]  }
0x30: {  	s3 =	sld [smem:$0x3FB0]  }
0x31: {  	[smem:$0x3FB9] =	sst s10  }
0x32: {  	s10 =	sld [smem:$0x3FB7];
	_ =	sdelay $0x3  }
0x33: {  	p0 =	seq.s32 s10, $0x1;
	s10 =	sld [smem:$0x3FB9];
	_ =	sdelay $0x3  }
0x34: {  	[smem:$0x3FB9] =	sst s10  }
0x35: {  	s10 =	sld [smem:$0x3FB8];
	_ =	sdelay $0x3  }
0x36: {  	p1 =	seq.s32 s10, $0x1;
	s10 =	sld [smem:$0x3FB9];
	_ =	sdelay $0x3  }
0x37: {  	[smem:$0x3FB9] =	sst s10  }
0x38: {  	s10 =	sld [smem:$0x3FBA]  }
0x39: {  	_ = 	snop;
	(pc) =	sbr.ind lr, $3  }
0x3a: {  	_ = 	snop  }
0x3b: {  	_ = 	snop  }
0x3c: {  	p2 =	seq.s32 s10, $0x1;
	s10 =	sld [smem:$0x3FB9]  }
0x3d: {  	_ =	shalt  }
0x3e: {  	_ =	shalt  }
0x3f: {  	_ =	shalt  }
0x40: {  	_ =	shalt  }
0x41: {  	_ =	shalt  }
0x42: {  	_ =	shalt  }
0x43: {  	_ =	shalt  }
0x44: {  	_ =	shalt  }
0x45: {  	_ =	shalt  }
0x46: {  	_ =	shalt  }
0x47: {  	_ =	shalt  }
0x48: {  	_ =	shalt  }
0x49: {  	_ =	shalt  }
0x4a: {  	_ =	shalt  }
0x4b: {  	_ =	shalt  }
0x4c: {  	_ =	shalt  }
0x4d: {  	_ =	shalt  }
0x4e: {  	_ =	shalt  }
0x4f: {  	_ =	shalt  }
0x50: {  	_ =	shalt  }
0x51: {  	_ =	shalt  }
0x52: {  	_ =	shalt  }
0x53: {  	_ =	shalt  }
0x54: {  	_ =	shalt  }
0x55: {  	_ =	shalt  }
0x56: {  	_ =	shalt  }
0x57: {  	_ =	shalt  }
0x58: {  	_ =	shalt  }
0x59: {  	_ =	shalt  }
0x5a: {  	_ =	shalt  }
0x5b: {  	_ =	shalt  }
0x5c: {  	_ =	shalt  }
0x5d: {  	_ =	shalt  }
0x5e: {  	_ =	shalt  }
0x5f: {  	_ =	shalt  }
0x60: {  	_ =	shalt  }
0x61: {  	_ =	shalt  }
0x62: {  	_ =	shalt  }
0x63: {  	_ =	shalt  }
0x64: {  	_ =	shalt  }
0x65: {  	_ =	shalt  }
0x66: {  	_ =	shalt  }
0x67: {  	_ =	shalt  }
0x68: {  	_ =	shalt  }
0x69: {  	_ =	shalt  }
0x6a: {  	_ =	shalt  }
0x6b: {  	_ =	shalt  }
0x6c: {  	_ =	shalt  }
0x6d: {  	_ =	shalt  }
0x6e: {  	_ =	shalt  }
0x6f: {  	_ =	shalt  }
0x70: {  	_ =	shalt  }
0x71: {  	_ =	shalt  }
0x72: {  	_ =	shalt  }
0x73: {  	_ =	shalt  }
0x74: {  	_ =	shalt  }
0x75: {  	_ =	shalt  }
0x76: {  	_ =	shalt  }
0x77: {  	_ =	shalt  }
0x78: {  	_ =	shalt  }
0x79: {  	_ =	shalt  }
0x7a: {  	_ =	shalt  }
0x7b: {  	_ =	shalt  }
0x7c: {  	_ =	shalt  }
0x7d: {  	_ =	shalt  }
0x7e: {  	_ =	shalt  }
0x7f: {  	_ =	shalt  }
0x80: {  	_ =	shalt  }
0x81: {  	_ =	shalt  }
0x82: {  	_ =	shalt  }
0x83: {  	_ =	shalt  }
0x84: {  	_ =	shalt  }
0x85: {  	_ =	shalt  }
0x86: {  	_ =	shalt  }
0x87: {  	_ =	shalt  }
.Lfunc_end0:
.L_simem_size_0:
called_computation_lowered:
.L_overlay_start_0:
0x88: {  	s2 =	sld [smem:$0x3FD9]  }
0x89: {  	s3 =	sld [smem:$0x3FFE];
	_ =	sdelay $0x1  }
0x8a: {  	s1 =	srdreg.scid  }
0x8b: {  	s0 =	sand.u32 $0x1, s1  }
0x8c: {  	s17 =	sshll.u32 s0, $0xA;
	s2 =	sadd.s32 s3, s2  }
0x8d: {  	s2 =	sadd.s32 s2, s17  }
0x8e: {  	[smem:$0x3FC5] =	sst s2  }
0x8f: {  	_ = 	snop  }
0x90: {  	s2 =	sld [smem:$0x3FC8]  }
0x91: {  	s18 =	sld [smem:$0x3FC7]  }
0x92: {  	s4 =	sld [smem:$0x3FD0];
	(tm) =	ssettm $0x1  }
0x93: {  	s5 =	sld [smem:$0x3FFB];
	_ =	sdelay $0x3  }
0x94: {  	_ =	strace s5  }
0x95: {  	s5 =	sld [smem:$0x3FFC];
	_ =	sdelay $0x3  }
0x96: {  	_ =	strace s5  }
0x97: {  	s5 =	sld [smem:$0x3FFD];
	_ =	sdelay $0x3  }
0x98: {  	_ =	strace s5  }
0x99: {  	_ =	strace $0x8FFFFFFF  }
0x9a: {  	s19 =	sld [smem:$0x3FDB];
	_ =	sdelay $0x1  }
0x9b: {  	s6 =	simm.s32 $_scs_section_size  }
0x9c: {  	s7 =	simm.s32 $_size__tile_overlayer_lowered;
	s8 =	simm.s32 $_tile_overlayer_lowered  }
0x9d: {  	s22 =	simm.s32 $0x1BFF;
	s21 =	sshll.u32 s8, $0x1;
	s5 =	sadd.s32 s6, s19  }
0x9e: {  	s9 =	simm.s32 $0x0;
	s20 =	sshll.u32 s7, $0x1;
	s7 =	sadd.s32 s21, s5  }
0x9f: {  	[timem:s9], [sflag:s22] =	dma.local [hbm:s7], s20  }
0xa0: {  	_ =	swait.ge [sflag:s22], s20  }
0xa1: {  	s6 =	ssub.s32 $0x0, s20;
	[sflag:s22] =	ssyncset.done $0x0  }
0xa2: {  	[sflag:s22] =	ssyncadd.s32 s6;
	_ =	sdelay $0x1  }
0xa3: {  	s23 =	simm.s32 $0x1B8B  }
0xa4: {  	_ =	swait.ge [sflag:s23], $0x1  }
0xa5: {  	[sflag:s23] =	ssyncset.done $0x0  }
0xa6: {  	s25 =	simm.s32 $0x1B8E;
	s24 =	sld [smem:$0x3FFE];
	[sflag:s23] =	ssyncadd.s32 $0xFFFFFFFF  }
0xa7: {  	s26 =	simm.s32 $execute0_lowered;
	[smem:$0x3FD2] =	sst s25  }
0xa8: {  	s7 =	sshll.u32 s26, $0x1;
	_ =	strace $0x80000046;
	[dreg:$0x1] =	wrdreg $0xFFFFFFFF  }
0xa9: {  	s28 =	simm.s32 $_size_execute0_lowered;
	s5 =	sadd.s32 s5, s7;
	[dreg:$0x0] =	wrdreg $0x0  }
0xaa: {  	s7 =	sshll.u32 s28, $0x1;
	[dreg:$0x2] =	wrdreg s5  }
0xab: {  	[dreg:$0x3] =	wrdreg s7  }
0xac: {  	[dreg:$0x4] =	wrdreg $0xC0  }
0xad: {  	_ =	task [dreg:s9], $0x5FFFF  }
0xae: {  	[dreg:$0x1] =	wrdreg $0xFFFFFFFF  }
0xaf: {  	[dreg:$0x0] =	wrdreg $0x60  }
0xb0: {  	[dreg:$0x2] =	wrdreg s24  }
0xb1: {  	[dreg:$0x3] =	wrdreg s2  }
0xb2: {  	[dreg:$0x4] =	wrdreg s18  }
0xb3: {  	[dreg:$0x5] =	wrdreg s4  }
0xb4: {  	[dreg:$0x6] =	wrdreg $0x9  }
0xb5: {  	_ =	task.clear_ibuf [dreg:s9], $0x7FFFF;
	_ =	strace $0x90000046  }
0xb6: {  	s29 =	simm.s32 $0x9;
	_ =	strace $0x80000048  }
0xb7: {  	_ =	swait.ge [sflag:s29], $0x1  }
0xb8: {  	[sflag:s29] =	ssyncadd.s32 $0xFFFFFFFF  }
0xb9: {  	_ =	strace $0x90000048  }
0xba: {  	_ =	sfence  }
0xbb: {  	s30 =	sld [smem:$0x0];
	_ =	sdelay $0x2  }
0xbc: {  	s31 =	sshll.u32 s1, $0xD;
	s1 =	sshrl.u32 s1, $0x2  }
0xbd: {  	s3 =	sand.u32 $0x4000, s31;
	s1 =	sadd.s32 s1, s30  }
0xbe: {  	s0 =	sor.u32 s3, s0;
	s1 =	sshll.u32 s1, $0x11  }
0xbf: {  	s0 =	sor.u32 s1, s0  }
0xc0: {  	s0 =	sadd.s32 $0x8F2B, s0  }
0xc1: {  	[sflag:s0] =	ssyncadd.remote.s32 $0x1  }
0xc2: {  	_ =	sfence.sel $0xFFFF  }
0xc3: {  	[dreg:$0x0] =	wrdreg $0xFFFFFFFF;
	(pc) =	sbr.abs _section_cstart, $3  }
0xc4: {  	[dreg:$0x1] =	wrdreg $0xFFFFFFFF  }
0xc5: {  	_ =	task.clear_ibuf [dreg:s9], $0x2FFFF;
	_ =	strace $0x9FFFFFFF  }
0xc6: {  	(tm) =	ssettm $0x7FFFFFFF  }
0xc7: {  	_ =	shalt  }
tec
execute0_lowered:
.L_overlay_start_1:
0x0: {  	(tag) =	ssettag $0x1  }
0x1: {  	s0 =	rddreg [dreg:$0x0]  }
0x2: {  	s1 =	rddreg [dreg:$0x1]  }
0x3: {  	s2 =	rddreg [dreg:$0x2]  }
0x4: {  	s4 =	rddreg [dreg:$0x3];
	s3 =	simm.s32 $0x0  }
0x5: {  	s5 =	srdreg.scid;
	s6 =	stileid.u32;
	s14 =	simm.s32 $0x40  }
0x6: {  	s17 =	simm.s32 $0x7;
	s18 =	simm.s32 $0x100;
	s19 =	simm.s32 $0x2100  }
0x7: {  	s28 =	simm.s32 $0x5;
	s29 =	simm.s32 $0x6;
	s30 =	simm.s32 $0x0  }
0x8: {  	[smem:$0x7FF] =	sst s3;
	s5 =	sand.u32 $0x1, s5;
	s6 =	sshll.u32 s6, $0x7  }
0x9: {  	s0 =	sadd.s32 $0x400, s0;
	s7 =	sshll.u32 s5, $0x6;
	s5 =	ssub.s32 $0x2, s5  }
0xa: {  	_ =	strace $0x80000047;
	s6 =	sor.u32 s7, s6;
	s20 =	sshrl.u32 s5, $0x1  }
0xb: {  	s8 =	sshrl.u32 s6, $0x3;
	s10 =	sor.u32 $0x800, s6;
	s5 =	ssub.s32 s5, s20  }
0xc: {  	s11 =	sor.u32 $0x1000, s6;
	s12 =	sor.u32 $0x1800, s6;
	s9 =	sshll.u32 s6, $0x4  }
0xd: {  	s20 =	simm.s32 $0x4100;
	s21 =	sadd.s32 s0, s8;
	s22 =	sshrl.u32 s10, $0x3  }
0xe: {  	s23 =	sshrl.u32 s11, $0x3;
	s24 =	sshrl.u32 s12, $0x3;
	s8 =	sadd.s32 s2, s9  }
0xf: {  	s9 =	sadd.s32 s4, s9;
	s25 =	sshll.u32 s10, $0x4;
	s26 =	sshll.u32 s11, $0x4  }
0x10: {  	s31 =	sshll.u32 s12, $0x4;
	s13 =	smax.u32 s5, $0x1;
	[dreg:$0x5] =	wrdreg s21  }
0x11: {  	s7 =	sadd.s32 s0, s22;
	s6 =	sadd.s32 s0, s23;
	s10 =	sadd.s32 s4, s25  }
0x12: {  	s11 =	sadd.s32 s4, s26;
	s12 =	sadd.s32 s4, s31;
	s21 =	simm.s32 $0x6100  }
0x13: {  	s23 =	simm.s32 $0x1;
	s25 =	simm.s32 $0x3;
	s26 =	simm.s32 $0x4  }
0x14: {  	[dreg:$0x6] =	wrdreg s7;
	s7 =	sadd.s32 s0, s24;
	s24 =	simm.s32 $0x2  }
.LBB2_1:
0x15: {  	s0 =	rddreg [dreg:$0x5]  }
0x16: {  	[tilespmem:s3], [sflag:$0x7] =	stream.linear.gather [hbm4b:s0+s3], $0x40, $0x38;
	[tilespmem:$0xA100] =	vst v63  }
0x17: {  	s15 =	rddreg [dreg:$0x6]  }
0x18: {  	[tilespmem:s14], [sflag:$0x7] =	stream.linear.gather [hbm4b:s15+s3], $0x40, $0x38;
	[tilespmem:$0xA100] =	vst v63  }
0x19: {  	s16 =	simm.s32 $0x80  }
0x1a: {  	[tilespmem:s16], [sflag:$0x7] =	stream.linear.gather [hbm4b:s6+s3], $0x40, $0x38;
	[tilespmem:$0xA100] =	vst v63  }
0x1b: {  	s2 =	simm.s32 $0xC0  }
0x1c: {  	[tilespmem:s2], [sflag:$0x7] =	stream.linear.gather [hbm4b:s7+s3], $0x40, $0x38;
	[tilespmem:$0xA100] =	vst v63  }
0x1d: {  	_ =	swait.ge [sflag:s17], $0x40  }
0x1e: {  	[sflag:s17] =	ssyncset.done $0x0  }
0x1f: {  	[sflag:s17] =	ssyncadd.s32 $0xFFFFFFC0  }
0x20: {  	_ =	swait.ge [sflag:s17], $0x40  }
0x21: {  	[sflag:s17] =	ssyncset.done $0x0  }
0x22: {  	[sflag:s17] =	ssyncadd.s32 $0xFFFFFFC0  }
0x23: {  	_ =	swait.ge [sflag:s17], $0x40  }
0x24: {  	[sflag:s17] =	ssyncset.done $0x0  }
0x25: {  	[sflag:s17] =	ssyncadd.s32 $0xFFFFFFC0  }
0x26: {  	_ =	swait.ge [sflag:s17], $0x40  }
0x27: {  	[sflag:s17] =	ssyncset.done $0x0  }
0x28: {  	[sflag:s17] =	ssyncadd.s32 $0xFFFFFFC0  }
0x29: {  	[tilespmem:s18], [sflag:$0x2] =	stream.indirect.gather [hbm4b:s1+s14], $0x80, s3, s14, $0xb8;
	[tilespmem:$0xA100] =	vst v63  }
0x2a: {  	_ = 	snop  }
0x2b: {  	[tilespmem:s19], [sflag:$0x3] =	stream.indirect.gather [hbm4b:s1+s14], $0x80, s14, s14, $0xb8;
	[tilespmem:$0xA100] =	vst v63  }
0x2c: {  	_ = 	snop  }
0x2d: {  	[tilespmem:s20], [sflag:$0x4] =	stream.indirect.gather [hbm4b:s1+s14], $0x80, s16, s14, $0xb8;
	[tilespmem:$0xA100] =	vst v63  }
0x2e: {  	_ = 	snop  }
0x2f: {  	[tilespmem:s21], [sflag:$0x5] =	stream.indirect.gather [hbm4b:s1+s14], $0x80, s2, s14, $0xb8;
	[tilespmem:$0xA100] =	vst v63  }
0x30: {  	s22 =	simm.s32 $0x8100  }
0x31: {  	[tilespmem:s22], [sflag:$0x1] =	stream.linear.gather [hbm4b:s8+s3], $0x2000, $0x38;
	[tilespmem:$0xA100] =	vst v63  }
0x32: {  	_ =	swait.ge [sflag:s23], $0x2000  }
0x33: {  	[sflag:s23] =	ssyncset.done $0x0  }
0x34: {  	[sflag:s23] =	ssyncadd.s32 $0xFFFFE000  }
0x35: {  	_ =	swait.ge [sflag:s24], $0x2000  }
0x36: {  	[sflag:s24] =	ssyncset.done $0x0  }
0x37: {  	s31 =	simm.s32 $0x180;
	[sflag:s24] =	ssyncadd.s32 $0xFFFFE000  }
0x38: {  	s5 =	simm.s32 $0x8180;
	v0 =	vld [tilespmem:s31+$0x0]  }
0x39: {  	v1 =	vld [tilespmem:s5+$0x0];
	_ =	sdelay $0x3  }
0x3a: {  	v2 =	vld [tilespmem:s31+$0xFFFFFF80]  }
0x3b: {  	v0 =	vadd.f32 v1, v0;
	v1 =	vld [tilespmem:s5+$0xFFFFFF80];
	_ =	sdelay $0x1  }
0x3c: {  	[tilespmem:s31+$0x0] =	vst v0;
	v0 =	vld [tilespmem:s31+$0x10]  }
0x3d: {  	v3 =	vld [tilespmem:s5+$0x10];
	_ =	sdelay $0x1  }
0x3e: {  	v1 =	vadd.f32 v1, v2;
	_ =	sdelay $0x1  }
0x3f: {  	v4 =	vld [tilespmem:s31+$0xFFFFFF90];
	[tilespmem:s31+$0xFFFFFF80] =	vst v1  }
0x40: {  	v0 =	vadd.f32 v3, v0;
	v1 =	vld [tilespmem:s5+$0xFFFFFF90];
	_ =	sdelay $0x1  }
0x41: {  	[tilespmem:s31+$0x10] =	vst v0;
	v0 =	vld [tilespmem:s31+$0x20]  }
0x42: {  	v3 =	vld [tilespmem:s5+$0x20]  }
0x43: {  	v5 =	vld [tilespmem:s31+$0xFFFFFFB0]  }
0x44: {  	s0 =	simm.s32 $0x280;
	v6 =	vld [tilespmem:s31+$0xFFFFFFD0];
	v1 =	vadd.f32 v1, v4  }
0x45: {  	v7 =	vld [tilespmem:s0+$0x0]  }
0x46: {  	v2 =	vld [tilespmem:s31+$0xFFFFFFA0];
	[tilespmem:s31+$0xFFFFFF90] =	vst v1  }
0x47: {  	v0 =	vadd.f32 v3, v0;
	v1 =	vld [tilespmem:s5+$0xFFFFFFA0]  }
0x48: {  	v8 =	vld [tilespmem:s31+$0xFFFFFFE0]  }
0x49: {  	[tilespmem:s31+$0x20] =	vst v0;
	v0 =	vld [tilespmem:s31+$0x30]  }
0x4a: {  	s2 =	simm.s32 $0x8280;
	v3 =	vld [tilespmem:s5+$0x30]  }
0x4b: {  	v10 =	vld [tilespmem:s2+$0xFFFFFF80]  }
0x4c: {  	v1 =	vadd.f32 v1, v2;
	v2 =	vld [tilespmem:s2+$0x0]  }
0x4d: {  	v12 =	vld [tilespmem:s0+$0xFFFFFF90]  }
0x4e: {  	s4 =	simm.s32 $0x8380;
	v13 =	vld [tilespmem:s0+$0xFFFFFFD0]  }
0x4f: {  	v15 =	vld [tilespmem:s4+$0xFFFFFF80];
	v0 =	vadd.f32 v3, v0  }
0x50: {  	[tilespmem:s31+$0xFFFFFFA0] =	vst v1;
	v1 =	vld [tilespmem:s31+$0x40]  }
0x51: {  	[tilespmem:s31+$0x30] =	vst v0;
	v2 =	vadd.f32 v2, v7;
	v7 =	vld [tilespmem:s0+$0xFFFFFF80]  }
0x52: {  	s22 =	simm.s32 $0x380;
	v9 =	vld [tilespmem:s5+$0x40]  }
0x53: {  	v16 =	vld [tilespmem:s22+$0xFFFFFF80]  }
0x54: {  	v3 =	vld [tilespmem:s5+$0xFFFFFFB0]  }
0x55: {  	v17 =	vld [tilespmem:s0+$0x50]  }
0x56: {  	[tilespmem:s0+$0x0] =	vst v2;
	v2 =	vld [tilespmem:s0+$0x10];
	v7 =	vadd.f32 v10, v7  }
0x57: {  	v11 =	vld [tilespmem:s2+$0x10];
	v1 =	vadd.f32 v9, v1  }
0x58: {  	v9 =	vld [tilespmem:s31+$0x50];
	[tilespmem:s0+$0xFFFFFF80] =	vst v7  }
0x59: {  	[tilespmem:s31+$0x40] =	vst v1;
	v1 =	vadd.f32 v3, v5;
	v5 =	vld [tilespmem:s2+$0xFFFFFF90]  }
0x5a: {  	v3 =	vld [tilespmem:s5+$0x50]  }
0x5b: {  	v60 =	vld [tilespmem:s22+$0xFFFFFFA0]  }
0x5c: {  	v4 =	vld [tilespmem:s31+$0xFFFFFFC0];
	v2 =	vadd.f32 v11, v2;
	[tilespmem:s31+$0xFFFFFFB0] =	vst v1  }
0x5d: {  	v1 =	vld [tilespmem:s5+$0xFFFFFFC0]  }
0x5e: {  	[tilespmem:s0+$0x10] =	vst v2;
	v2 =	vld [tilespmem:s0+$0x20]  }
0x5f: {  	v5 =	vadd.f32 v5, v12;
	v3 =	vadd.f32 v3, v9;
	v9 =	vld [tilespmem:s2+$0x20]  }
0x60: {  	v18 =	vld [tilespmem:s0+$0x60];
	v15 =	vadd.f32 v15, v16  }
0x61: {  	v10 =	vld [tilespmem:s0+$0xFFFFFFA0];
	[tilespmem:s0+$0xFFFFFF90] =	vst v5  }
0x62: {  	[tilespmem:s22+$0xFFFFFF80] =	vst v15;
	v1 =	vadd.f32 v1, v4;
	v4 =	vld [tilespmem:s2+$0xFFFFFFA0]  }
0x63: {  	v15 =	vld [tilespmem:s4+$0xFFFFFF90]  }
0x64: {  	v0 =	vld [tilespmem:s31+$0xFFFFFFF0];
	[tilespmem:s31+$0xFFFFFFC0] =	vst v1;
	v1 =	vadd.f32 v9, v2  }
0x65: {  	v7 =	vld [tilespmem:s0+$0xFFFFFFB0]  }
0x66: {  	v5 =	vld [tilespmem:s0+$0x30];
	[tilespmem:s0+$0x20] =	vst v1  }
0x67: {  	v4 =	vadd.f32 v4, v10;
	v10 =	vld [tilespmem:s2+$0x30]  }
0x68: {  	v2 =	vld [tilespmem:s5+$0xFFFFFFD0]  }
0x69: {  	v11 =	vld [tilespmem:s31+$0x60]  }
0x6a: {  	v12 =	vld [tilespmem:s0+$0xFFFFFFC0];
	[tilespmem:s31+$0x50] =	vst v3  }
0x6b: {  	v3 =	vld [tilespmem:s5+$0x60]  }
0x6c: {  	[tilespmem:s0+$0xFFFFFFA0] =	vst v4;
	v4 =	vld [tilespmem:s22+$0x0];
	v5 =	vadd.f32 v10, v5  }
0x6d: {  	v2 =	vadd.f32 v2, v6;
	v6 =	vld [tilespmem:s4+$0x0]  }
0x6e: {  	v10 =	vld [tilespmem:s0+$0x40];
	[tilespmem:s0+$0x30] =	vst v5  }
0x6f: {  	v5 =	vld [tilespmem:s2+$0x40]  }
0x70: {  	v9 =	vld [tilespmem:s31+$0x70];
	v3 =	vadd.f32 v3, v11  }
0x71: {  	v1 =	vld [tilespmem:s0+$0xFFFFFFE0]  }
0x72: {  	[tilespmem:s31+$0x60] =	vst v3;
	v3 =	vld [tilespmem:s2+$0xFFFFFFB0];
	v4 =	vadd.f32 v6, v4  }
0x73: {  	v6 =	vld [tilespmem:s22+$0xFFFFFF90]  }
0x74: {  	[tilespmem:s22+$0x0] =	vst v4;
	v4 =	vld [tilespmem:s22+$0x10];
	v5 =	vadd.f32 v5, v10  }
0x75: {  	v10 =	vld [tilespmem:s4+$0x10]  }
0x76: {  	v11 =	vld [tilespmem:s5+$0x70];
	[tilespmem:s0+$0x40] =	vst v5  }
0x77: {  	v3 =	vadd.f32 v3, v7;
	v7 =	vld [tilespmem:s2+$0x50]  }
0x78: {  	[tilespmem:s31+$0xFFFFFFD0] =	vst v2;
	v2 =	vld [tilespmem:s0+$0xFFFFFFF0]  }
0x79: {  	v14 =	vld [tilespmem:s5+$0xFFFFFFE0];
	[tilespmem:s0+$0xFFFFFFB0] =	vst v3;
	v6 =	vadd.f32 v15, v6  }
0x7a: {  	v3 =	vadd.f32 v10, v4;
	v10 =	vld [tilespmem:s2+$0xFFFFFFC0]  }
0x7b: {  	[tilespmem:s22+$0xFFFFFF90] =	vst v6;
	v6 =	vld [tilespmem:s22+$0xFFFFFFE0]  }
0x7c: {  	v5 =	vld [tilespmem:s22+$0xFFFFFFB0];
	[tilespmem:s22+$0x10] =	vst v3;
	v3 =	vadd.f32 v7, v17  }
0x7d: {  	v7 =	vld [tilespmem:s22+$0x20]  }
0x7e: {  	v15 =	vld [tilespmem:s4+$0x20];
	[tilespmem:s0+$0x50] =	vst v3  }
0x7f: {  	v10 =	vadd.f32 v10, v12;
	v12 =	vld [tilespmem:s2+$0x60]  }
0x80: {  	v61 =	vld [tilespmem:s4+$0xFFFFFFA0]  }
0x81: {  	v4 =	vld [tilespmem:s22+$0xFFFFFFC0];
	[tilespmem:s0+$0xFFFFFFC0] =	vst v10  }
0x82: {  	v10 =	vld [tilespmem:s2+$0xFFFFFFD0]  }
0x83: {  	v3 =	vld [tilespmem:s22+$0xFFFFFFD0];
	v7 =	vadd.f32 v15, v7  }
0x84: {  	v15 =	vld [tilespmem:s0+$0x70];
	v12 =	vadd.f32 v12, v18  }
0x85: {  	[tilespmem:s22+$0x20] =	vst v7;
	v7 =	vadd.f32 v14, v8;
	v14 =	vld [tilespmem:s22+$0x30]  }
0x86: {  	v8 =	vadd.f32 v61, v60;
	v62 =	vld [tilespmem:s4+$0x30];
	[tilespmem:s0+$0x60] =	vst v12  }
0x87: {  	[tilespmem:s31+$0xFFFFFFE0] =	vst v7;
	v7 =	vadd.f32 v10, v13;
	v63 =	vld [tilespmem:s2+$0x70]  }
0x88: {  	[tilespmem:s22+$0xFFFFFFA0] =	vst v8;
	v8 =	vld [tilespmem:s5+$0xFFFFFFF0]  }
0x89: {  	v12 =	vld [tilespmem:s4+$0xFFFFFFB0];
	[tilespmem:s0+$0xFFFFFFD0] =	vst v7  }
0x8a: {  	v10 =	vadd.f32 v11, v9;
	v9 =	vld [tilespmem:s2+$0xFFFFFFE0]  }
0x8b: {  	v7 =	vld [tilespmem:s22+$0xFFFFFFF0];
	v13 =	vadd.f32 v62, v14  }
0x8c: {  	s15 =	simm.s32 $0x4;
	s16 =	simm.s32 $0x480;
	s5 =	simm.s32 $0x8380;
	[tilespmem:s31+$0x70] =	vst v10;
	v10 =	vld [tilespmem:s22+$0x40];
	v11 =	vadd.f32 v63, v15  }
.LBB2_2:
0x8d: {  	v14 =	vld [tilespmem:s16+$0x0];
	[tilespmem:s22+$0x30] =	vst v13;
	s4 =	sadd.s32 $0x100, s4;
	v8 =	vadd.f32 v8, v0;
	v0 =	vmov v2  }
0x8e: {  	v13 =	vld [tilespmem:s4+$0x0];
	v12 =	vadd.f32 v12, v5;
	[tilespmem:s0+$0x70] =	vst v11  }
0x8f: {  	s15 =	sadd.s32 $0x2, s15;
	v5 =	vld [tilespmem:s5+$0x40];
	v9 =	vadd.f32 v9, v1;
	[tilespmem:s31+$0xFFFFFFF0] =	vst v8;
	v1 =	vmov v6;
	s31 =	smov.u32 s0;
	s0 =	smov.u32 s22  }
0x90: {  	p0 =	slt.u32 s15, $0x3E;
	s22 =	smov.u32 s16;
	v6 =	vld [tilespmem:s4+$0xFFFFFF80];
	[tilespmem:s0+$0xFFFFFFB0] =	vst v12;
	v2 =	vmov v7  }
0x91: {  	v7 =	vld [tilespmem:s16+$0xFFFFFF80];
	[tilespmem:s31+$0xFFFFFFE0] =	vst v9  }
0x92: {  	v8 =	vld [tilespmem:s16+$0xFFFFFF90]  }
0x93: {  	v9 =	vld [tilespmem:s16+$0xFFFFFFA0];
	v11 =	vadd.f32 v13, v14  }
0x94: {  	v5 =	vadd.f32 v5, v10;
	v10 =	vld [tilespmem:s0+$0x50]  }
0x95: {  	[tilespmem:s16+$0x0] =	vst v11;
	v11 =	vld [tilespmem:s16+$0x10]  }
0x96: {  	v6 =	vadd.f32 v6, v7;
	v7 =	vld [tilespmem:s4+$0x10];
	[tilespmem:s0+$0x40] =	vst v5  }
0x97: {  	v12 =	vld [tilespmem:s5+$0x50]  }
0x98: {  	[tilespmem:s16+$0xFFFFFF80] =	vst v6;
	v5 =	vld [tilespmem:s16+$0xFFFFFFB0]  }
0x99: {  	v6 =	vld [tilespmem:s4+$0xFFFFFF90]  }
0x9a: {  	v13 =	vld [tilespmem:s5+$0xFFFFFFC0]  }
0x9b: {  	v14 =	vld [tilespmem:s16+$0xFFFFFFC0];
	v7 =	vadd.f32 v7, v11  }
0x9c: {  	v10 =	vadd.f32 v12, v10;
	v11 =	vld [tilespmem:s0+$0x60]  }
0x9d: {  	[tilespmem:s16+$0x10] =	vst v7;
	v7 =	vld [tilespmem:s16+$0x20]  }
0x9e: {  	v6 =	vadd.f32 v6, v8;
	v8 =	vld [tilespmem:s4+$0x20];
	[tilespmem:s0+$0x50] =	vst v10  }
0x9f: {  	v10 =	vadd.f32 v13, v4;
	v12 =	vld [tilespmem:s5+$0x60]  }
0xa0: {  	[tilespmem:s16+$0xFFFFFF90] =	vst v6;
	v13 =	vld [tilespmem:s16+$0xFFFFFFD0];
	v4 =	vmov v14  }
0xa1: {  	v14 =	vld [tilespmem:s4+$0xFFFFFFA0];
	[tilespmem:s0+$0xFFFFFFC0] =	vst v10  }
0xa2: {  	v10 =	vld [tilespmem:s5+$0xFFFFFFD0]  }
0xa3: {  	v6 =	vld [tilespmem:s16+$0xFFFFFFE0];
	v7 =	vadd.f32 v8, v7  }
0xa4: {  	v8 =	vadd.f32 v12, v11;
	v11 =	vld [tilespmem:s0+$0x70]  }
0xa5: {  	[tilespmem:s16+$0x20] =	vst v7;
	v15 =	vld [tilespmem:s16+$0x30]  }
0xa6: {  	v7 =	vadd.f32 v14, v9;
	v14 =	vld [tilespmem:s4+$0x30];
	[tilespmem:s0+$0x60] =	vst v8  }
0xa7: {  	v9 =	vadd.f32 v10, v3;
	v16 =	vld [tilespmem:s5+$0x70];
	v3 =	vmov v13  }
.Ltmp0:
0xa8: {  	[tilespmem:s16+$0xFFFFFFA0] =	vst v7;
	v8 =	vld [tilespmem:s2+$0xFFFFFFF0];
	s2 =	smov.u32 s5;
	s5 =	smov.u32 s4;
	(pc) =	sbr.rel @p0 .LBB2_2-.Ltmp0, $4  }
0xa9: {  	v12 =	vld [tilespmem:s4+$0xFFFFFFB0];
	[tilespmem:s0+$0xFFFFFFD0] =	vst v9  }
0xaa: {  	v9 =	vld [tilespmem:s2+$0xFFFFFFE0]  }
0xab: {  	v7 =	vld [tilespmem:s16+$0xFFFFFFF0];
	v13 =	vadd.f32 v14, v15  }
0xac: {  	s16 =	sadd.s32 $0x100, s16;
	v10 =	vld [tilespmem:s22+$0x40];
	v11 =	vadd.f32 v16, v11  }
0xad: {  	_ = 	snop  }
0xae: {  	[tilespmem:s22+$0x30] =	vst v13;
	v5 =	vadd.f32 v12, v5  }
0xaf: {  	v12 =	vld [tilespmem:s5+$0x40]  }
0xb0: {  	[tilespmem:s22+$0xFFFFFFB0] =	vst v5  }
0xb1: {  	v5 =	vld [tilespmem:s5+$0xFFFFFFC0];
	_ =	sdelay $0x2  }
0xb2: {  	v10 =	vadd.f32 v12, v10;
	_ =	sdelay $0x1  }
0xb3: {  	v12 =	vld [tilespmem:s22+$0x50];
	[tilespmem:s22+$0x40] =	vst v10;
	v4 =	vadd.f32 v5, v4  }
0xb4: {  	v5 =	vld [tilespmem:s5+$0x50]  }
0xb5: {  	[tilespmem:s22+$0xFFFFFFC0] =	vst v4  }
0xb6: {  	v4 =	vld [tilespmem:s5+$0xFFFFFFD0];
	_ =	sdelay $0x2  }
0xb7: {  	v5 =	vadd.f32 v5, v12;
	_ =	sdelay $0x1  }
0xb8: {  	v10 =	vld [tilespmem:s22+$0x60];
	[tilespmem:s22+$0x50] =	vst v5;
	v3 =	vadd.f32 v4, v3  }
0xb9: {  	v4 =	vld [tilespmem:s5+$0x60]  }
0xba: {  	[tilespmem:s22+$0xFFFFFFD0] =	vst v3  }
0xbb: {  	v3 =	vld [tilespmem:s5+$0xFFFFFFE0];
	_ =	sdelay $0x2  }
0xbc: {  	v4 =	vadd.f32 v4, v10  }
0xbd: {  	v1 =	vadd.f32 v9, v1  }
0xbe: {  	v5 =	vld [tilespmem:s22+$0x70];
	[tilespmem:s22+$0x60] =	vst v4;
	v3 =	vadd.f32 v3, v6  }
0xbf: {  	[tilespmem:s0+$0xFFFFFFE0] =	vst v1;
	v1 =	vld [tilespmem:s5+$0x70]  }
0xc0: {  	v4 =	vld [tilespmem:s2+$0xFFFFFFF0];
	[tilespmem:s22+$0xFFFFFFE0] =	vst v3  }
0xc1: {  	v3 =	vld [tilespmem:s5+$0xFFFFFFF0];
	_ =	sdelay $0x1  }
0xc2: {  	v0 =	vadd.f32 v8, v0  }
0xc3: {  	[tilespmem:s0+$0x70] =	vst v11;
	v1 =	vadd.f32 v1, v5  }
0xc4: {  	[tilespmem:s31+$0xFFFFFFF0] =	vst v0;
	v0 =	vadd.f32 v4, v2  }
0xc5: {  	[tilespmem:s22+$0x70] =	vst v1;
	v1 =	vadd.f32 v3, v7  }
0xc6: {  	[tilespmem:s0+$0xFFFFFFF0] =	vst v0  }
0xc7: {  	[tilespmem:s22+$0xFFFFFFF0] =	vst v1  }
0xc8: {  	[hbm4b:s9+s3] =	stream.linear.scatter [tilespmem:s18], [sflag:$0x6], $0x2000, $0x38;
	[tilespmem:$0xA100] =	vst v63  }
0xc9: {  	_ =	swait.ge [sflag:s25], $0x2000  }
0xca: {  	[sflag:s25] =	ssyncset.done $0x0  }
0xcb: {  	s31 =	simm.s32 $0x21F0;
	[sflag:s25] =	ssyncadd.s32 $0xFFFFE000  }
0xcc: {  	s16 =	simm.s32 $0x8180;
	v0 =	vld [tilespmem:s31+$0xFFFFFF90]  }
0xcd: {  	v1 =	vld [tilespmem:s16+$0x0];
	_ =	sdelay $0x3  }
0xce: {  	v2 =	vld [tilespmem:s31+$0xFFFFFF10]  }
0xcf: {  	v0 =	vadd.f32 v1, v0;
	v1 =	vld [tilespmem:s16+$0xFFFFFF80];
	_ =	sdelay $0x1  }
0xd0: {  	[tilespmem:s31+$0xFFFFFF90] =	vst v0;
	v0 =	vld [tilespmem:s31+$0xFFFFFFA0]  }
0xd1: {  	v3 =	vld [tilespmem:s16+$0x10];
	_ =	sdelay $0x1  }
0xd2: {  	v1 =	vadd.f32 v1, v2;
	_ =	sdelay $0x1  }
0xd3: {  	v4 =	vld [tilespmem:s31+$0xFFFFFF20];
	[tilespmem:s31+$0xFFFFFF10] =	vst v1  }
0xd4: {  	v0 =	vadd.f32 v3, v0;
	v1 =	vld [tilespmem:s16+$0xFFFFFF90];
	_ =	sdelay $0x1  }
0xd5: {  	[tilespmem:s31+$0xFFFFFFA0] =	vst v0;
	v0 =	vld [tilespmem:s31+$0xFFFFFFB0]  }
0xd6: {  	v3 =	vld [tilespmem:s16+$0x20]  }
0xd7: {  	v5 =	vld [tilespmem:s31+$0xFFFFFF40]  }
0xd8: {  	s0 =	simm.s32 $0x22F0;
	v6 =	vld [tilespmem:s31+$0xFFFFFF60];
	v1 =	vadd.f32 v1, v4  }
0xd9: {  	v7 =	vld [tilespmem:s0+$0xFFFFFF90]  }
0xda: {  	v2 =	vld [tilespmem:s31+$0xFFFFFF30];
	[tilespmem:s31+$0xFFFFFF20] =	vst v1  }
0xdb: {  	v0 =	vadd.f32 v3, v0;
	v1 =	vld [tilespmem:s16+$0xFFFFFFA0]  }
0xdc: {  	v8 =	vld [tilespmem:s31+$0xFFFFFF70]  }
0xdd: {  	[tilespmem:s31+$0xFFFFFFB0] =	vst v0;
	v0 =	vld [tilespmem:s31+$0xFFFFFFC0]  }
0xde: {  	s2 =	simm.s32 $0x8280;
	v3 =	vld [tilespmem:s16+$0x30]  }
0xdf: {  	v10 =	vld [tilespmem:s2+$0xFFFFFF80]  }
0xe0: {  	v1 =	vadd.f32 v1, v2;
	v2 =	vld [tilespmem:s2+$0x0]  }
0xe1: {  	v12 =	vld [tilespmem:s0+$0xFFFFFF20]  }
0xe2: {  	s4 =	simm.s32 $0x8380;
	v13 =	vld [tilespmem:s0+$0xFFFFFF60]  }
0xe3: {  	v15 =	vld [tilespmem:s4+$0xFFFFFF80];
	v0 =	vadd.f32 v3, v0  }
0xe4: {  	[tilespmem:s31+$0xFFFFFF30] =	vst v1;
	v1 =	vld [tilespmem:s31+$0xFFFFFFD0]  }
0xe5: {  	[tilespmem:s31+$0xFFFFFFC0] =	vst v0;
	v2 =	vadd.f32 v2, v7;
	v7 =	vld [tilespmem:s0+$0xFFFFFF10]  }
0xe6: {  	s22 =	simm.s32 $0x23F0;
	v9 =	vld [tilespmem:s16+$0x40]  }
0xe7: {  	v16 =	vld [tilespmem:s22+$0xFFFFFF10]  }
0xe8: {  	v3 =	vld [tilespmem:s16+$0xFFFFFFB0]  }
0xe9: {  	v17 =	vld [tilespmem:s0+$0xFFFFFFE0]  }
0xea: {  	[tilespmem:s0+$0xFFFFFF90] =	vst v2;
	v2 =	vld [tilespmem:s0+$0xFFFFFFA0];
	v7 =	vadd.f32 v10, v7  }
0xeb: {  	v11 =	vld [tilespmem:s2+$0x10];
	v1 =	vadd.f32 v9, v1  }
0xec: {  	v9 =	vld [tilespmem:s31+$0xFFFFFFE0];
	[tilespmem:s0+$0xFFFFFF10] =	vst v7  }
0xed: {  	[tilespmem:s31+$0xFFFFFFD0] =	vst v1;
	v1 =	vadd.f32 v3, v5;
	v5 =	vld [tilespmem:s2+$0xFFFFFF90]  }
0xee: {  	v3 =	vld [tilespmem:s16+$0x50]  }
0xef: {  	v60 =	vld [tilespmem:s22+$0xFFFFFF30]  }
0xf0: {  	v4 =	vld [tilespmem:s31+$0xFFFFFF50];
	v2 =	vadd.f32 v11, v2;
	[tilespmem:s31+$0xFFFFFF40] =	vst v1  }
0xf1: {  	v1 =	vld [tilespmem:s16+$0xFFFFFFC0]  }
0xf2: {  	[tilespmem:s0+$0xFFFFFFA0] =	vst v2;
	v2 =	vld [tilespmem:s0+$0xFFFFFFB0]  }
0xf3: {  	v5 =	vadd.f32 v5, v12;
	v3 =	vadd.f32 v3, v9;
	v9 =	vld [tilespmem:s2+$0x20]  }
0xf4: {  	v18 =	vld [tilespmem:s0+$0xFFFFFFF0];
	v15 =	vadd.f32 v15, v16  }
0xf5: {  	v10 =	vld [tilespmem:s0+$0xFFFFFF30];
	[tilespmem:s0+$0xFFFFFF20] =	vst v5  }
0xf6: {  	[tilespmem:s22+$0xFFFFFF10] =	vst v15;
	v1 =	vadd.f32 v1, v4;
	v4 =	vld [tilespmem:s2+$0xFFFFFFA0]  }
0xf7: {  	v15 =	vld [tilespmem:s4+$0xFFFFFF90]  }
0xf8: {  	v0 =	vld [tilespmem:s31+$0xFFFFFF80];
	[tilespmem:s31+$0xFFFFFF50] =	vst v1;
	v1 =	vadd.f32 v9, v2  }
0xf9: {  	v7 =	vld [tilespmem:s0+$0xFFFFFF40]  }
0xfa: {  	v5 =	vld [tilespmem:s0+$0xFFFFFFC0];
	[tilespmem:s0+$0xFFFFFFB0] =	vst v1  }
0xfb: {  	v4 =	vadd.f32 v4, v10;
	v10 =	vld [tilespmem:s2+$0x30]  }
0xfc: {  	v2 =	vld [tilespmem:s16+$0xFFFFFFD0]  }
0xfd: {  	v11 =	vld [tilespmem:s31+$0xFFFFFFF0]  }
0xfe: {  	v12 =	vld [tilespmem:s0+$0xFFFFFF50];
	[tilespmem:s31+$0xFFFFFFE0] =	vst v3  }
0xff: {  	v3 =	vld [tilespmem:s16+$0x60]  }
0x100: {  	[tilespmem:s0+$0xFFFFFF30] =	vst v4;
	v4 =	vld [tilespmem:s22+$0xFFFFFF90];
	v5 =	vadd.f32 v10, v5  }
0x101: {  	v2 =	vadd.f32 v2, v6;
	v6 =	vld [tilespmem:s4+$0x0]  }
0x102: {  	v10 =	vld [tilespmem:s0+$0xFFFFFFD0];
	[tilespmem:s0+$0xFFFFFFC0] =	vst v5  }
0x103: {  	v5 =	vld [tilespmem:s2+$0x40]  }
0x104: {  	v9 =	vld [tilespmem:s31+$0x0];
	v3 =	vadd.f32 v3, v11  }
0x105: {  	v1 =	vld [tilespmem:s0+$0xFFFFFF70]  }
0x106: {  	[tilespmem:s31+$0xFFFFFFF0] =	vst v3;
	v3 =	vld [tilespmem:s2+$0xFFFFFFB0];
	v4 =	vadd.f32 v6, v4  }
0x107: {  	v6 =	vld [tilespmem:s22+$0xFFFFFF20]  }
0x108: {  	[tilespmem:s22+$0xFFFFFF90] =	vst v4;
	v4 =	vld [tilespmem:s22+$0xFFFFFFA0];
	v5 =	vadd.f32 v5, v10  }
0x109: {  	v10 =	vld [tilespmem:s4+$0x10]  }
0x10a: {  	v11 =	vld [tilespmem:s16+$0x70];
	[tilespmem:s0+$0xFFFFFFD0] =	vst v5  }
0x10b: {  	v3 =	vadd.f32 v3, v7;
	v7 =	vld [tilespmem:s2+$0x50]  }
0x10c: {  	[tilespmem:s31+$0xFFFFFF60] =	vst v2;
	v2 =	vld [tilespmem:s0+$0xFFFFFF80]  }
0x10d: {  	v14 =	vld [tilespmem:s16+$0xFFFFFFE0];
	[tilespmem:s0+$0xFFFFFF40] =	vst v3;
	v6 =	vadd.f32 v15, v6  }
0x10e: {  	v3 =	vadd.f32 v10, v4;
	v10 =	vld [tilespmem:s2+$0xFFFFFFC0]  }
0x10f: {  	[tilespmem:s22+$0xFFFFFF20] =	vst v6;
	v6 =	vld [tilespmem:s22+$0xFFFFFF70]  }
0x110: {  	v5 =	vld [tilespmem:s22+$0xFFFFFF40];
	[tilespmem:s22+$0xFFFFFFA0] =	vst v3;
	v3 =	vadd.f32 v7, v17  }
0x111: {  	v7 =	vld [tilespmem:s22+$0xFFFFFFB0]  }
0x112: {  	v15 =	vld [tilespmem:s4+$0x20];
	[tilespmem:s0+$0xFFFFFFE0] =	vst v3  }
0x113: {  	v10 =	vadd.f32 v10, v12;
	v12 =	vld [tilespmem:s2+$0x60]  }
0x114: {  	v61 =	vld [tilespmem:s4+$0xFFFFFFA0]  }
0x115: {  	v4 =	vld [tilespmem:s22+$0xFFFFFF50];
	[tilespmem:s0+$0xFFFFFF50] =	vst v10  }
0x116: {  	v10 =	vld [tilespmem:s2+$0xFFFFFFD0]  }
0x117: {  	v3 =	vld [tilespmem:s22+$0xFFFFFF60];
	v7 =	vadd.f32 v15, v7  }
0x118: {  	v15 =	vld [tilespmem:s0+$0x0];
	v12 =	vadd.f32 v12, v18  }
0x119: {  	[tilespmem:s22+$0xFFFFFFB0] =	vst v7;
	v7 =	vadd.f32 v14, v8;
	v14 =	vld [tilespmem:s22+$0xFFFFFFC0]  }
0x11a: {  	v8 =	vadd.f32 v61, v60;
	v62 =	vld [tilespmem:s4+$0x30];
	[tilespmem:s0+$0xFFFFFFF0] =	vst v12  }
0x11b: {  	[tilespmem:s31+$0xFFFFFF70] =	vst v7;
	v7 =	vadd.f32 v10, v13;
	v63 =	vld [tilespmem:s2+$0x70]  }
0x11c: {  	[tilespmem:s22+$0xFFFFFF30] =	vst v8;
	v8 =	vld [tilespmem:s16+$0xFFFFFFF0]  }
0x11d: {  	v12 =	vld [tilespmem:s4+$0xFFFFFFB0];
	[tilespmem:s0+$0xFFFFFF60] =	vst v7  }
0x11e: {  	v10 =	vadd.f32 v11, v9;
	v9 =	vld [tilespmem:s2+$0xFFFFFFE0]  }
0x11f: {  	v7 =	vld [tilespmem:s22+$0xFFFFFF80];
	v13 =	vadd.f32 v62, v14  }
0x120: {  	s15 =	simm.s32 $0x4;
	s5 =	simm.s32 $0x8380;
	s16 =	simm.s32 $0x24F0;
	[tilespmem:s31+$0x0] =	vst v10;
	v10 =	vld [tilespmem:s22+$0xFFFFFFD0];
	v11 =	vadd.f32 v63, v15  }
.LBB2_4:
0x121: {  	v14 =	vld [tilespmem:s16+$0xFFFFFF90];
	[tilespmem:s22+$0xFFFFFFC0] =	vst v13;
	s4 =	sadd.s32 $0x100, s4;
	v8 =	vadd.f32 v8, v0;
	v0 =	vmov v2  }
0x122: {  	v13 =	vld [tilespmem:s4+$0x0];
	v12 =	vadd.f32 v12, v5;
	[tilespmem:s0+$0x0] =	vst v11  }
0x123: {  	s15 =	sadd.s32 $0x2, s15;
	v5 =	vld [tilespmem:s5+$0x40];
	v9 =	vadd.f32 v9, v1;
	[tilespmem:s31+$0xFFFFFF80] =	vst v8;
	v1 =	vmov v6;
	s31 =	smov.u32 s0;
	s0 =	smov.u32 s22  }
0x124: {  	p0 =	slt.u32 s15, $0x3E;
	s22 =	smov.u32 s16;
	v6 =	vld [tilespmem:s4+$0xFFFFFF80];
	[tilespmem:s0+$0xFFFFFF40] =	vst v12;
	v2 =	vmov v7  }
0x125: {  	v7 =	vld [tilespmem:s16+$0xFFFFFF10];
	[tilespmem:s31+$0xFFFFFF70] =	vst v9  }
0x126: {  	v8 =	vld [tilespmem:s16+$0xFFFFFF20]  }
0x127: {  	v9 =	vld [tilespmem:s16+$0xFFFFFF30];
	v11 =	vadd.f32 v13, v14  }
0x128: {  	v5 =	vadd.f32 v5, v10;
	v10 =	vld [tilespmem:s0+$0xFFFFFFE0]  }
0x129: {  	[tilespmem:s16+$0xFFFFFF90] =	vst v11;
	v11 =	vld [tilespmem:s16+$0xFFFFFFA0]  }
0x12a: {  	v6 =	vadd.f32 v6, v7;
	v7 =	vld [tilespmem:s4+$0x10];
	[tilespmem:s0+$0xFFFFFFD0] =	vst v5  }
0x12b: {  	v12 =	vld [tilespmem:s5+$0x50]  }
0x12c: {  	[tilespmem:s16+$0xFFFFFF10] =	vst v6;
	v5 =	vld [tilespmem:s16+$0xFFFFFF40]  }
0x12d: {  	v6 =	vld [tilespmem:s4+$0xFFFFFF90]  }
0x12e: {  	v13 =	vld [tilespmem:s5+$0xFFFFFFC0]  }
0x12f: {  	v14 =	vld [tilespmem:s16+$0xFFFFFF50];
	v7 =	vadd.f32 v7, v11  }
0x130: {  	v10 =	vadd.f32 v12, v10;
	v11 =	vld [tilespmem:s0+$0xFFFFFFF0]  }
0x131: {  	[tilespmem:s16+$0xFFFFFFA0] =	vst v7;
	v7 =	vld [tilespmem:s16+$0xFFFFFFB0]  }
0x132: {  	v6 =	vadd.f32 v6, v8;
	v8 =	vld [tilespmem:s4+$0x20];
	[tilespmem:s0+$0xFFFFFFE0] =	vst v10  }
0x133: {  	v10 =	vadd.f32 v13, v4;
	v12 =	vld [tilespmem:s5+$0x60]  }
0x134: {  	[tilespmem:s16+$0xFFFFFF20] =	vst v6;
	v13 =	vld [tilespmem:s16+$0xFFFFFF60];
	v4 =	vmov v14  }
0x135: {  	v14 =	vld [tilespmem:s4+$0xFFFFFFA0];
	[tilespmem:s0+$0xFFFFFF50] =	vst v10  }
0x136: {  	v10 =	vld [tilespmem:s5+$0xFFFFFFD0]  }
0x137: {  	v6 =	vld [tilespmem:s16+$0xFFFFFF70];
	v7 =	vadd.f32 v8, v7  }
0x138: {  	v8 =	vadd.f32 v12, v11;
	v11 =	vld [tilespmem:s0+$0x0]  }
0x139: {  	[tilespmem:s16+$0xFFFFFFB0] =	vst v7;
	v15 =	vld [tilespmem:s16+$0xFFFFFFC0]  }
0x13a: {  	v7 =	vadd.f32 v14, v9;
	v14 =	vld [tilespmem:s4+$0x30];
	[tilespmem:s0+$0xFFFFFFF0] =	vst v8  }
0x13b: {  	v9 =	vadd.f32 v10, v3;
	v16 =	vld [tilespmem:s5+$0x70];
	v3 =	vmov v13  }
.Ltmp1:
0x13c: {  	[tilespmem:s16+$0xFFFFFF30] =	vst v7;
	v8 =	vld [tilespmem:s2+$0xFFFFFFF0];
	s2 =	smov.u32 s5;
	s5 =	smov.u32 s4;
	(pc) =	sbr.rel @p0 .LBB2_4-.Ltmp1, $4  }
0x13d: {  	v12 =	vld [tilespmem:s4+$0xFFFFFFB0];
	[tilespmem:s0+$0xFFFFFF60] =	vst v9  }
0x13e: {  	v9 =	vld [tilespmem:s2+$0xFFFFFFE0]  }
0x13f: {  	v7 =	vld [tilespmem:s16+$0xFFFFFF80];
	v13 =	vadd.f32 v14, v15  }
0x140: {  	s16 =	sadd.s32 $0x100, s16;
	v10 =	vld [tilespmem:s22+$0xFFFFFFD0];
	v11 =	vadd.f32 v16, v11  }
0x141: {  	_ = 	snop  }
0x142: {  	[tilespmem:s22+$0xFFFFFFC0] =	vst v13;
	v5 =	vadd.f32 v12, v5  }
0x143: {  	v54 =	vld [tilespmem:s5+$0x40]  }
0x144: {  	[tilespmem:s22+$0xFFFFFF40] =	vst v5  }
0x145: {  	v5 =	vld [tilespmem:s5+$0xFFFFFFC0];
	_ =	sdelay $0x2  }
0x146: {  	v10 =	vadd.f32 v54, v10;
	_ =	sdelay $0x1  }
0x147: {  	v55 =	vld [tilespmem:s22+$0xFFFFFFE0];
	[tilespmem:s22+$0xFFFFFFD0] =	vst v10;
	v4 =	vadd.f32 v5, v4  }
0x148: {  	v5 =	vld [tilespmem:s5+$0x50]  }
0x149: {  	[tilespmem:s22+$0xFFFFFF50] =	vst v4  }
0x14a: {  	v4 =	vld [tilespmem:s5+$0xFFFFFFD0];
	_ =	sdelay $0x2  }
0x14b: {  	v5 =	vadd.f32 v5, v55;
	_ =	sdelay $0x1  }
0x14c: {  	v56 =	vld [tilespmem:s22+$0xFFFFFFF0];
	[tilespmem:s22+$0xFFFFFFE0] =	vst v5;
	v3 =	vadd.f32 v4, v3  }
0x14d: {  	v4 =	vld [tilespmem:s5+$0x60]  }
0x14e: {  	[tilespmem:s22+$0xFFFFFF60] =	vst v3  }
0x14f: {  	v3 =	vld [tilespmem:s5+$0xFFFFFFE0];
	_ =	sdelay $0x2  }
0x150: {  	v4 =	vadd.f32 v4, v56  }
0x151: {  	v1 =	vadd.f32 v9, v1  }
0x152: {  	v5 =	vld [tilespmem:s22+$0x0];
	[tilespmem:s22+$0xFFFFFFF0] =	vst v4;
	v3 =	vadd.f32 v3, v6  }
0x153: {  	[tilespmem:s0+$0xFFFFFF70] =	vst v1;
	v1 =	vld [tilespmem:s5+$0x70]  }
0x154: {  	v4 =	vld [tilespmem:s2+$0xFFFFFFF0];
	[tilespmem:s22+$0xFFFFFF70] =	vst v3  }
0x155: {  	v3 =	vld [tilespmem:s5+$0xFFFFFFF0];
	_ =	sdelay $0x1  }
0x156: {  	v0 =	vadd.f32 v8, v0  }
0x157: {  	[tilespmem:s0+$0x0] =	vst v11;
	v1 =	vadd.f32 v1, v5  }
0x158: {  	[tilespmem:s31+$0xFFFFFF80] =	vst v0;
	v0 =	vadd.f32 v4, v2  }
0x159: {  	[tilespmem:s22+$0x0] =	vst v1;
	v1 =	vadd.f32 v3, v7  }
0x15a: {  	[tilespmem:s0+$0xFFFFFF80] =	vst v0  }
0x15b: {  	s31 =	simm.s32 $0x0;
	[tilespmem:s22+$0xFFFFFF80] =	vst v1  }
0x15c: {  	[hbm4b:s10+s31] =	stream.linear.scatter [tilespmem:s19], [sflag:$0x6], $0x2000, $0x38;
	[tilespmem:$0xA100] =	vst v63  }
0x15d: {  	_ =	swait.ge [sflag:s26], $0x2000  }
0x15e: {  	[sflag:s26] =	ssyncset.done $0x0  }
0x15f: {  	s0 =	simm.s32 $0x0;
	[sflag:s26] =	ssyncadd.s32 $0xFFFFE000  }
0x160: {  	v0 =	vld [tilespmem:s0+$0x4100]  }
0x161: {  	v1 =	vld [tilespmem:s0+$0x8100]  }
0x162: {  	v2 =	vld [tilespmem:s0+$0x4110]  }
0x163: {  	v3 =	vld [tilespmem:s0+$0x8110]  }
0x164: {  	v4 =	vld [tilespmem:s0+$0x4120]  }
0x165: {  	v5 =	vld [tilespmem:s0+$0x8120]  }
0x166: {  	v6 =	vld [tilespmem:s0+$0x8130]  }
0x167: {  	v7 =	vld [tilespmem:s0+$0x41F0]  }
0x168: {  	v57 =	vld [tilespmem:s0+$0x81F0]  }
0x169: {  	v58 =	vld [tilespmem:s0+$0x4170];
	v0 =	vadd.f32 v1, v0  }
0x16a: {  	v1 =	vld [tilespmem:s0+$0x4130]  }
0x16b: {  	[tilespmem:s0+$0x4100] =	vst v0;
	v0 =	vadd.f32 v3, v2;
	v2 =	vld [tilespmem:s0+$0x4140]  }
0x16c: {  	v3 =	vld [tilespmem:s0+$0x8140]  }
0x16d: {  	[tilespmem:s0+$0x4110] =	vst v0;
	v0 =	vadd.f32 v5, v4;
	v4 =	vld [tilespmem:s0+$0x4150]  }
0x16e: {  	v5 =	vld [tilespmem:s0+$0x8150]  }
0x16f: {  	[tilespmem:s0+$0x4120] =	vst v0;
	v0 =	vadd.f32 v6, v1;
	v6 =	vld [tilespmem:s0+$0x4160]  }
0x170: {  	v1 =	vadd.f32 v57, v7;
	v7 =	vld [tilespmem:s0+$0x8160]  }
0x171: {  	[tilespmem:s0+$0x4130] =	vst v0;
	v0 =	vld [tilespmem:s0+$0x4180]  }
0x172: {  	[tilespmem:s0+$0x41F0] =	vst v1;
	v1 =	vld [tilespmem:s0+$0x8180]  }
0x173: {  	v59 =	vld [tilespmem:s0+$0x4190]  }
0x174: {  	v60 =	vld [tilespmem:s0+$0x8190]  }
0x175: {  	v61 =	vld [tilespmem:s0+$0x41A0]  }
0x176: {  	v62 =	vld [tilespmem:s0+$0x81A0];
	v4 =	vadd.f32 v5, v4;
	v5 =	vadd.f32 v7, v6  }
0x177: {  	v0 =	vadd.f32 v1, v0;
	v1 =	vadd.f32 v3, v2;
	v3 =	vld [tilespmem:s0+$0x8170]  }
0x178: {  	v63 =	vld [tilespmem:s0+$0x41B0];
	[tilespmem:s0+$0x4150] =	vst v4  }
0x179: {  	v14 =	vld [tilespmem:s0+$0x81B0];
	[tilespmem:s0+$0x4160] =	vst v5  }
0x17a: {  	v2 =	vadd.f32 v60, v59;
	[tilespmem:s0+$0x4180] =	vst v0;
	v0 =	vld [tilespmem:s0+$0x41C0]  }
0x17b: {  	v4 =	vadd.f32 v62, v61;
	[tilespmem:s0+$0x4140] =	vst v1;
	v1 =	vld [tilespmem:s0+$0x81C0]  }
0x17c: {  	[tilespmem:s0+$0x4190] =	vst v2;
	v2 =	vld [tilespmem:s0+$0x41D0];
	v5 =	vadd.f32 v3, v58  }
0x17d: {  	[tilespmem:s0+$0x41A0] =	vst v4;
	v3 =	vld [tilespmem:s0+$0x81D0]  }
0x17e: {  	s4 =	simm.s32 $0x400;
	s2 =	simm.s32 $0x0;
	v4 =	vld [tilespmem:s0+$0x41E0];
	[tilespmem:s0+$0x4170] =	vst v5;
	v5 =	vadd.f32 v14, v63  }
.LBB2_6:
0x17f: {  	s5 =	sshra.s32 s4, $0x2;
	v6 =	vld [tilespmem:s0+$0x81E0]  }
0x180: {  	s2 =	sadd.s32 $0x2, s2;
	v7 =	vld [tilespmem:s5+$0x41F0];
	[tilespmem:s0+$0x41B0] =	vst v5;
	v0 =	vadd.f32 v1, v0  }
0x181: {  	p0 =	slt.u32 s2, $0x3E;
	v1 =	vld [tilespmem:s5+$0x81F0]  }
0x182: {  	v5 =	vld [tilespmem:s5+$0x4100];
	[tilespmem:s0+$0x41C0] =	vst v0;
	v0 =	vadd.f32 v3, v2  }
0x183: {  	v2 =	vld [tilespmem:s5+$0x8100]  }
0x184: {  	v3 =	vld [tilespmem:s5+$0x4110];
	[tilespmem:s0+$0x41D0] =	vst v0;
	v0 =	vadd.f32 v6, v4  }
0x185: {  	v4 =	vld [tilespmem:s5+$0x8110]  }
0x186: {  	v6 =	vld [tilespmem:s5+$0x4120];
	v1 =	vadd.f32 v1, v7;
	[tilespmem:s0+$0x41E0] =	vst v0;
	s0 =	smov.u32 s5  }
0x187: {  	v0 =	vld [tilespmem:s0+$0x8120]  }
0x188: {  	v2 =	vadd.f32 v2, v5;
	v5 =	vld [tilespmem:s0+$0x4130];
	[tilespmem:s0+$0x41F0] =	vst v1  }
0x189: {  	v1 =	vld [tilespmem:s0+$0x8130]  }
0x18a: {  	[tilespmem:s0+$0x4100] =	vst v2;
	v2 =	vadd.f32 v4, v3;
	v3 =	vld [tilespmem:s0+$0x4140]  }
0x18b: {  	v4 =	vld [tilespmem:s0+$0x8140]  }
0x18c: {  	[tilespmem:s0+$0x4110] =	vst v2;
	v0 =	vadd.f32 v0, v6;
	v2 =	vld [tilespmem:s0+$0x4150]  }
0x18d: {  	v6 =	vld [tilespmem:s0+$0x8150]  }
0x18e: {  	[tilespmem:s0+$0x4120] =	vst v0;
	v0 =	vadd.f32 v1, v5;
	v1 =	vld [tilespmem:s0+$0x4160]  }
0x18f: {  	v5 =	vld [tilespmem:s0+$0x8160]  }
0x190: {  	[tilespmem:s0+$0x4130] =	vst v0;
	v0 =	vadd.f32 v4, v3;
	v3 =	vld [tilespmem:s0+$0x4170]  }
0x191: {  	v4 =	vld [tilespmem:s0+$0x8170]  }
0x192: {  	[tilespmem:s0+$0x4140] =	vst v0;
	v0 =	vadd.f32 v6, v2;
	v2 =	vld [tilespmem:s0+$0x4180]  }
0x193: {  	v6 =	vld [tilespmem:s0+$0x8180]  }
0x194: {  	[tilespmem:s0+$0x4150] =	vst v0;
	v0 =	vadd.f32 v5, v1;
	v1 =	vld [tilespmem:s0+$0x4190]  }
0x195: {  	v5 =	vld [tilespmem:s0+$0x8190]  }
0x196: {  	[tilespmem:s0+$0x4160] =	vst v0;
	v0 =	vadd.f32 v4, v3;
	v3 =	vld [tilespmem:s0+$0x41A0]  }
0x197: {  	v4 =	vld [tilespmem:s0+$0x81A0]  }
0x198: {  	[tilespmem:s0+$0x4170] =	vst v0;
	v0 =	vadd.f32 v6, v2;
	v6 =	vld [tilespmem:s0+$0x41B0]  }
0x199: {  	v7 =	vld [tilespmem:s0+$0x81B0]  }
.Ltmp2:
0x19a: {  	[tilespmem:s0+$0x4180] =	vst v0;
	v2 =	vadd.f32 v5, v1;
	v0 =	vld [tilespmem:s0+$0x41C0];
	(pc) =	sbr.rel @p0 .LBB2_6-.Ltmp2, $4  }
0x19b: {  	v1 =	vld [tilespmem:s0+$0x81C0]  }
0x19c: {  	[tilespmem:s0+$0x4190] =	vst v2;
	v4 =	vadd.f32 v4, v3;
	v2 =	vld [tilespmem:s0+$0x41D0]  }
0x19d: {  	v3 =	vld [tilespmem:s0+$0x81D0]  }
0x19e: {  	s4 =	sadd.s32 $0x400, s4;
	[tilespmem:s0+$0x41A0] =	vst v4;
	v5 =	vadd.f32 v7, v6;
	v4 =	vld [tilespmem:s0+$0x41E0]  }
0x19f: {  	v6 =	vld [tilespmem:s0+$0x81E0];
	_ =	sdelay $0x2  }
0x1a0: {  	v0 =	vadd.f32 v1, v0  }
0x1a1: {  	[tilespmem:s0+$0x41B0] =	vst v5;
	v1 =	vadd.f32 v3, v2  }
0x1a2: {  	[tilespmem:s0+$0x41C0] =	vst v0;
	v0 =	vadd.f32 v6, v4  }
0x1a3: {  	[tilespmem:s0+$0x41D0] =	vst v1  }
0x1a4: {  	s31 =	simm.s32 $0x0;
	[tilespmem:s0+$0x41E0] =	vst v0  }
0x1a5: {  	[hbm4b:s11+s31] =	stream.linear.scatter [tilespmem:s20], [sflag:$0x6], $0x2000, $0x38;
	[tilespmem:$0xA100] =	vst v63  }
0x1a6: {  	_ =	swait.ge [sflag:s28], $0x2000  }
0x1a7: {  	[sflag:s28] =	ssyncset.done $0x0  }
0x1a8: {  	s0 =	simm.s32 $0x0;
	[sflag:s28] =	ssyncadd.s32 $0xFFFFE000  }
0x1a9: {  	v0 =	vld [tilespmem:s0+$0x6100]  }
0x1aa: {  	v1 =	vld [tilespmem:s0+$0x8100]  }
0x1ab: {  	v2 =	vld [tilespmem:s0+$0x6110]  }
0x1ac: {  	v3 =	vld [tilespmem:s0+$0x8110]  }
0x1ad: {  	v4 =	vld [tilespmem:s0+$0x6120]  }
0x1ae: {  	v5 =	vld [tilespmem:s0+$0x8120]  }
0x1af: {  	v6 =	vld [tilespmem:s0+$0x8130]  }
0x1b0: {  	v7 =	vld [tilespmem:s0+$0x61F0]  }
0x1b1: {  	v8 =	vld [tilespmem:s0+$0x81F0]  }
0x1b2: {  	v63 =	vld [tilespmem:s0+$0x6170];
	v0 =	vadd.f32 v1, v0  }
0x1b3: {  	v1 =	vld [tilespmem:s0+$0x6130]  }
0x1b4: {  	[tilespmem:s0+$0x6100] =	vst v0;
	v0 =	vadd.f32 v3, v2;
	v2 =	vld [tilespmem:s0+$0x6140]  }
0x1b5: {  	v3 =	vld [tilespmem:s0+$0x8140]  }
0x1b6: {  	[tilespmem:s0+$0x6110] =	vst v0;
	v0 =	vadd.f32 v5, v4;
	v4 =	vld [tilespmem:s0+$0x6150]  }
0x1b7: {  	v5 =	vld [tilespmem:s0+$0x8150]  }
0x1b8: {  	[tilespmem:s0+$0x6120] =	vst v0;
	v0 =	vadd.f32 v6, v1;
	v6 =	vld [tilespmem:s0+$0x6160]  }
0x1b9: {  	v1 =	vadd.f32 v8, v7;
	v7 =	vld [tilespmem:s0+$0x8160]  }
0x1ba: {  	[tilespmem:s0+$0x6130] =	vst v0;
	v0 =	vld [tilespmem:s0+$0x6180]  }
0x1bb: {  	[tilespmem:s0+$0x61F0] =	vst v1;
	v1 =	vld [tilespmem:s0+$0x8180]  }
0x1bc: {  	v9 =	vld [tilespmem:s0+$0x6190]  }
0x1bd: {  	v10 =	vld [tilespmem:s0+$0x8190]  }
0x1be: {  	v11 =	vld [tilespmem:s0+$0x61A0]  }
0x1bf: {  	v12 =	vld [tilespmem:s0+$0x81A0];
	v4 =	vadd.f32 v5, v4;
	v5 =	vadd.f32 v7, v6  }
0x1c0: {  	v0 =	vadd.f32 v1, v0;
	v1 =	vadd.f32 v3, v2;
	v3 =	vld [tilespmem:s0+$0x8170]  }
0x1c1: {  	v13 =	vld [tilespmem:s0+$0x61B0];
	[tilespmem:s0+$0x6150] =	vst v4  }
0x1c2: {  	v14 =	vld [tilespmem:s0+$0x81B0];
	[tilespmem:s0+$0x6160] =	vst v5  }
0x1c3: {  	v2 =	vadd.f32 v10, v9;
	[tilespmem:s0+$0x6180] =	vst v0;
	v0 =	vld [tilespmem:s0+$0x61C0]  }
0x1c4: {  	v4 =	vadd.f32 v12, v11;
	[tilespmem:s0+$0x6140] =	vst v1;
	v1 =	vld [tilespmem:s0+$0x81C0]  }
0x1c5: {  	[tilespmem:s0+$0x6190] =	vst v2;
	v2 =	vld [tilespmem:s0+$0x61D0];
	v5 =	vadd.f32 v3, v63  }
0x1c6: {  	[tilespmem:s0+$0x61A0] =	vst v4;
	v3 =	vld [tilespmem:s0+$0x81D0]  }
0x1c7: {  	s2 =	simm.s32 $0x0;
	s4 =	simm.s32 $0x400;
	v4 =	vld [tilespmem:s0+$0x61E0];
	[tilespmem:s0+$0x6170] =	vst v5;
	v5 =	vadd.f32 v14, v13  }
.LBB2_8:
0x1c8: {  	s5 =	sshra.s32 s4, $0x2;
	v6 =	vld [tilespmem:s0+$0x81E0]  }
0x1c9: {  	s2 =	sadd.s32 $0x2, s2;
	v7 =	vld [tilespmem:s5+$0x61F0];
	[tilespmem:s0+$0x61B0] =	vst v5;
	v0 =	vadd.f32 v1, v0  }
0x1ca: {  	p0 =	slt.u32 s2, $0x3E;
	v1 =	vld [tilespmem:s5+$0x81F0]  }
0x1cb: {  	v5 =	vld [tilespmem:s5+$0x6100];
	[tilespmem:s0+$0x61C0] =	vst v0;
	v0 =	vadd.f32 v3, v2  }
0x1cc: {  	v2 =	vld [tilespmem:s5+$0x8100]  }
0x1cd: {  	v3 =	vld [tilespmem:s5+$0x6110];
	[tilespmem:s0+$0x61D0] =	vst v0;
	v0 =	vadd.f32 v6, v4  }
0x1ce: {  	v4 =	vld [tilespmem:s5+$0x8110]  }
0x1cf: {  	v6 =	vld [tilespmem:s5+$0x6120];
	v1 =	vadd.f32 v1, v7;
	[tilespmem:s0+$0x61E0] =	vst v0;
	s0 =	smov.u32 s5  }
0x1d0: {  	v0 =	vld [tilespmem:s0+$0x8120]  }
0x1d1: {  	v2 =	vadd.f32 v2, v5;
	v5 =	vld [tilespmem:s0+$0x6130];
	[tilespmem:s0+$0x61F0] =	vst v1  }
0x1d2: {  	v1 =	vld [tilespmem:s0+$0x8130]  }
0x1d3: {  	[tilespmem:s0+$0x6100] =	vst v2;
	v2 =	vadd.f32 v4, v3;
	v3 =	vld [tilespmem:s0+$0x6140]  }
0x1d4: {  	v4 =	vld [tilespmem:s0+$0x8140]  }
0x1d5: {  	[tilespmem:s0+$0x6110] =	vst v2;
	v0 =	vadd.f32 v0, v6;
	v2 =	vld [tilespmem:s0+$0x6150]  }
0x1d6: {  	v6 =	vld [tilespmem:s0+$0x8150]  }
0x1d7: {  	[tilespmem:s0+$0x6120] =	vst v0;
	v0 =	vadd.f32 v1, v5;
	v1 =	vld [tilespmem:s0+$0x6160]  }
0x1d8: {  	v5 =	vld [tilespmem:s0+$0x8160]  }
0x1d9: {  	[tilespmem:s0+$0x6130] =	vst v0;
	v0 =	vadd.f32 v4, v3;
	v3 =	vld [tilespmem:s0+$0x6170]  }
0x1da: {  	v4 =	vld [tilespmem:s0+$0x8170]  }
0x1db: {  	[tilespmem:s0+$0x6140] =	vst v0;
	v0 =	vadd.f32 v6, v2;
	v2 =	vld [tilespmem:s0+$0x6180]  }
0x1dc: {  	v6 =	vld [tilespmem:s0+$0x8180]  }
0x1dd: {  	[tilespmem:s0+$0x6150] =	vst v0;
	v0 =	vadd.f32 v5, v1;
	v1 =	vld [tilespmem:s0+$0x6190]  }
0x1de: {  	v5 =	vld [tilespmem:s0+$0x8190]  }
0x1df: {  	[tilespmem:s0+$0x6160] =	vst v0;
	v0 =	vadd.f32 v4, v3;
	v3 =	vld [tilespmem:s0+$0x61A0]  }
0x1e0: {  	v4 =	vld [tilespmem:s0+$0x81A0]  }
0x1e1: {  	[tilespmem:s0+$0x6170] =	vst v0;
	v0 =	vadd.f32 v6, v2;
	v6 =	vld [tilespmem:s0+$0x61B0]  }
0x1e2: {  	v7 =	vld [tilespmem:s0+$0x81B0]  }
.Ltmp3:
0x1e3: {  	[tilespmem:s0+$0x6180] =	vst v0;
	v2 =	vadd.f32 v5, v1;
	v0 =	vld [tilespmem:s0+$0x61C0];
	(pc) =	sbr.rel @p0 .LBB2_8-.Ltmp3, $4  }
0x1e4: {  	v1 =	vld [tilespmem:s0+$0x81C0]  }
0x1e5: {  	[tilespmem:s0+$0x6190] =	vst v2;
	v4 =	vadd.f32 v4, v3;
	v2 =	vld [tilespmem:s0+$0x61D0]  }
0x1e6: {  	v3 =	vld [tilespmem:s0+$0x81D0]  }
0x1e7: {  	s4 =	sadd.s32 $0x400, s4;
	[tilespmem:s0+$0x61A0] =	vst v4;
	v5 =	vadd.f32 v7, v6;
	v4 =	vld [tilespmem:s0+$0x61E0]  }
0x1e8: {  	v6 =	vld [tilespmem:s0+$0x81E0];
	_ =	sdelay $0x2  }
0x1e9: {  	v0 =	vadd.f32 v1, v0  }
0x1ea: {  	[tilespmem:s0+$0x61B0] =	vst v5;
	v62 =	vadd.f32 v3, v2  }
0x1eb: {  	[tilespmem:s0+$0x61C0] =	vst v0;
	v63 =	vadd.f32 v6, v4  }
0x1ec: {  	[tilespmem:s0+$0x61D0] =	vst v62  }
0x1ed: {  	[tilespmem:s0+$0x61E0] =	vst v63  }
0x1ee: {  	[hbm4b:s12+s3] =	stream.linear.scatter [tilespmem:s21], [sflag:$0x6], $0x2000, $0x38;
	[tilespmem:$0xA100] =	vst v63  }
0x1ef: {  	_ =	swait.ge [sflag:s29], $0x2000  }
0x1f0: {  	[sflag:s29] =	ssyncset.done $0x0  }
0x1f1: {  	[sflag:s29] =	ssyncadd.s32 $0xFFFFE000  }
0x1f2: {  	_ =	swait.ge [sflag:s29], $0x2000  }
0x1f3: {  	[sflag:s29] =	ssyncset.done $0x0  }
0x1f4: {  	s30 =	sadd.s32 $0x1, s30;
	[sflag:s29] =	ssyncadd.s32 $0xFFFFE000  }
0x1f5: {  	p0 =	sne.s32 s30, s13;
	_ =	swait.ge [sflag:s29], $0x2000  }
.Ltmp4:
0x1f6: {  	[sflag:s29] =	ssyncset.done $0x0;
	(pc) =	sbr.rel @p0 .LBB2_1-.Ltmp4, $4  }
0x1f7: {  	[sflag:s29] =	ssyncadd.s32 $0xFFFFE000  }
0x1f8: {  	_ =	swait.ge [sflag:s29], $0x2000  }
0x1f9: {  	[sflag:s29] =	ssyncset.done $0x0  }
0x1fa: {  	[sflag:s29] =	ssyncadd.s32 $0xFFFFE000  }
0x1fb: {  	_ =	sfence.sel $0x180000  }
0x1fc: {  	[bflag:$0x0] =	sbarrier.arrive $0xFFFF  }
0x1fd: {  	_ =	strace $0x90000047  }
0x1fe: {  	s0 =	stileid.u32;
	[bflag:$0x2] =	sbarrier.arrive $0xFFFF  }
0x1ff: {  	p0 =	sne.s32 s0, $0x0;
	s0 =	rddreg [dreg:$0x4]  }
0x200: {  	s0 =	sadd.s32 @!p0 $0x100000, s0  }
0x201: {  	[sflag:s0] =	ssyncadd.tile.s32 @!p0 $0x1;
	_ =	shalt  }
.Lfunc_end2:
_tile_overlayer_lowered:
.L_overlay_start_2:
0x202: {  	(tag) =	ssettag $0x2  }
0x203: {  	s0 =	rddreg [dreg:$0x0];
	s2 =	stileid.u32  }
0x204: {  	s1 =	rddreg [dreg:$0x1];
	p0 =	sne.s32 s2, $0x0  }
0x205: {  	s3 =	rddreg [dreg:$0x2];
	[bflag:$0x3] =	sbarrier.arrive $0xFFFF;
	s2 =	simm.s32 @!p0 $0x1C08  }
0x206: {  	[timem:s3], [sflag:s2] =	dma.local @!p0 [hbm:s0], s1  }
0x207: {  	s0 =	simm.s32 @!p0 $0x8  }
0x208: {  	_ =	swait.ge @!p0 [sflag:s0], s1  }
0x209: {  	s1 =	ssub.s32 @!p0 $0x0, s1;
	[sflag:s0] =	ssyncset.done @!p0 $0x0  }
0x20a: {  	[sflag:s0] =	ssyncadd.s32 @!p0 s1  }
0x20b: {  	[bflag:$0x3] =	sbarrier.arrive $0xFFFF  }
0x20c: {  	_ =	shalt  }

</sc_bundles>
